<compile_context>
chip_gen: v7x
topology: tpu7x:2x2x1
jax: 0.10.2.dev20260603
libtpu: 0.0.44.dev20260713+nightly
codegen_flags: <defaults>
</compile_context>

<pallas_src>
import functools

import jax
import jax.numpy as jnp
from jax import lax
from jax.experimental import pallas as pl
from jax.experimental.pallas import tpu as pltpu
from jax.experimental.pallas import tpu_sc as plsc

_NW = 32
_BE = 80
_GST = 3
_BES = 40
_NA = 10240



def _proj_body(ns_ref, wa_ref, wb_ref, s_ref):
    x = ns_ref[...]
    a = jnp.dot(x, wa_ref[...], preferred_element_type=jnp.float32)
    b = jnp.dot(x, wb_ref[...], preferred_element_type=jnp.float32)
    au = jax.lax.bitcast_convert_type(a, jnp.uint32) + jnp.uint32(0x8000)
    bu = jax.lax.bitcast_convert_type(b, jnp.uint32) + jnp.uint32(0x8000)
    s_ref[...] = (au >> 16) | (bu & jnp.uint32(0xFFFF0000))


def _node_proj(ns, w_a, w_b):
    n, d = ns.shape
    bn = 2000
    return pl.pallas_call(
        _proj_body,
        grid=(n // bn,),
        in_specs=[pl.BlockSpec((bn, d), lambda i: (i, 0)),
                  pl.BlockSpec(w_a.shape, lambda i: (0, 0)),
                  pl.BlockSpec(w_b.shape, lambda i: (0, 0))],
        out_specs=pl.BlockSpec((bn, d), lambda i: (i, 0)),
        out_shape=jax.ShapeDtypeStruct((n, d), jnp.uint32),
    )(ns, w_a, w_b)



def _sc_gather(s3, fi3, ti3):
    nblk = fi3.shape[1]
    e = _NW * nblk * _BE
    dd = s3.shape[1]
    mesh = plsc.VectorSubcoreMesh(core_axis_name="c", subcore_axis_name="s")

    @functools.partial(
        pl.kernel, mesh=mesh,
        out_type=[jax.ShapeDtypeStruct((e, dd), jnp.uint32),
                  jax.ShapeDtypeStruct((e, dd), jnp.uint32)],
        scratch_types=(
            [pltpu.VMEM((nblk, _BE), jnp.int32),
             pltpu.VMEM((nblk, _BE), jnp.int32)]
            + [pltpu.VMEM((_BE, dd), jnp.uint32)] * (2 * _GST)
            + [pltpu.SemaphoreType.DMA] * (2 * _GST)
        ),
    )
    def k(s_hbm, fi_hbm, ti_hbm, sf_hbm, st_hbm, fiv, tiv, *rest):
        bufs = rest[:2 * _GST]
        gsems = rest[2 * _GST:3 * _GST]
        osems = rest[3 * _GST:]
        cid = lax.axis_index("c")
        sid = lax.axis_index("s")
        wid = sid * 2 + cid
        base = wid * (nblk * _BE)
        pltpu.sync_copy(fi_hbm.at[wid], fiv)
        pltpu.sync_copy(ti_hbm.at[wid], tiv)
        stages = tuple(
            (bufs[2 * st], bufs[2 * st + 1], gsems[st], osems[st])
            for st in range(_GST))

        def fire_g(j, bf, bt, gsem):
            pltpu.async_copy(s_hbm.at[fiv.at[j]], bf, gsem)
            pltpu.async_copy(s_hbm.at[tiv.at[j]], bt, gsem)

        for st in range(_GST):
            fire_g(st, stages[st][0], stages[st][1], stages[st][2])

        def body(j, carry):
            for st in range(_GST):
                bf, bt, gsem, osem = stages[st]

                @pl.when(lax.rem(j, _GST) == st)
                def _():
                    pltpu.make_async_copy(s_hbm.at[fiv.at[j]], bf, gsem).wait()
                    pltpu.make_async_copy(s_hbm.at[tiv.at[j]], bt, gsem).wait()
                    r0 = base + j * _BE
                    co = pltpu.async_copy(bf, sf_hbm.at[pl.ds(r0, _BE)], osem)
                    ct = pltpu.async_copy(bt, st_hbm.at[pl.ds(r0, _BE)], osem)

                    @pl.when(j + _GST < nblk)
                    def _():
                        co.wait()
                        ct.wait()
                        fire_g(j + _GST, bf, bt, gsem)
            return carry

        lax.fori_loop(0, nblk, body, 0)
        for st in range(_GST):
            bf, bt, gsem, osem = stages[st]
            pltpu.make_async_copy(bf, sf_hbm.at[pl.ds(base, _BE)], osem).wait()
            pltpu.make_async_copy(bt, st_hbm.at[pl.ds(base, _BE)], osem).wait()

    return k(s3, fi3, ti3)



def _tail_body(ef_ref, sf_ref, st_ref, w1c_ref, b1_ref, w2_ref, b2_ref,
               w3_ref, b3_ref, e1_ref, e2_ref):
    c = jnp.dot(ef_ref[...], w1c_ref[...],
                preferred_element_type=jnp.float32) + b1_ref[...]

    def unpack(x):
        a = jax.lax.bitcast_convert_type(x << 16, jnp.float32)
        b = jax.lax.bitcast_convert_type(x & jnp.uint32(0xFFFF0000),
                                         jnp.float32)
        return a, b

    sf_a, sf_b = unpack(sf_ref[...])
    st_a, st_b = unpack(st_ref[...])

    def head(g):
        h1 = jnp.maximum(g, 0.0).astype(jnp.bfloat16)
        h2 = jnp.dot(h1, w2_ref[...], preferred_element_type=jnp.float32)
        h2 = jnp.maximum(h2 + b2_ref[...], 0.0).astype(jnp.bfloat16)
        return jnp.dot(h2, w3_ref[...],
                       preferred_element_type=jnp.float32) + b3_ref[...]

    e1_ref[...] = head(sf_a + st_b + c)
    e2_ref[...] = head(st_a + sf_b + c)


def _mlp_tail(ef, sf, st, w1c, b1, w2, b2, w3, b3):
    e, d = ef.shape
    h = w1c.shape[1]
    be = 2000
    wspec = lambda shape: pl.BlockSpec(shape, lambda i: (0, 0))
    return pl.pallas_call(
        _tail_body,
        grid=(e // be,),
        in_specs=[pl.BlockSpec((be, d), lambda i: (i, 0)),
                  pl.BlockSpec((be, d), lambda i: (i, 0)),
                  pl.BlockSpec((be, d), lambda i: (i, 0)),
                  wspec(w1c.shape), wspec(b1.shape),
                  wspec(w2.shape), wspec(b2.shape),
                  wspec(w3.shape), wspec(b3.shape)],
        out_specs=[pl.BlockSpec((be, h), lambda i: (i, 0)),
                   pl.BlockSpec((be, h), lambda i: (i, 0))],
        out_shape=[jax.ShapeDtypeStruct((e, h), jnp.float32),
                   jax.ShapeDtypeStruct((e, h), jnp.float32)],
    )(ef, sf, st, w1c, b1, w2, b2, w3, b3)



def _sc_scatter(es1, es2, ti, fi):
    na, d = _NA, es1.shape[1]
    nblk = ti.shape[0] // (_NW * _BES)
    rpt = na // 16
    mesh = plsc.VectorSubcoreMesh(core_axis_name="c", subcore_axis_name="s")

    @functools.partial(
        pl.kernel, mesh=mesh,
        out_type=jax.ShapeDtypeStruct((2 * na, d), jnp.float32),
        scratch_types=[
            pltpu.VMEM((_BES, d), jnp.float32),
            pltpu.VMEM((_BES, d), jnp.float32),
            pltpu.VMEM((_BES, d), jnp.float32),
            pltpu.VMEM((_BES, d), jnp.float32),
            pltpu.VMEM((_BES,), jnp.int32),
            pltpu.VMEM((_BES,), jnp.int32),
            pltpu.VMEM((_BES,), jnp.int32),
            pltpu.VMEM((_BES,), jnp.int32),
            pltpu.VMEM_SHARED((na, d), jnp.float32),
            pltpu.SemaphoreType.DMA,
            pltpu.SemaphoreType.DMA,
            pltpu.SemaphoreType.DMA,
            pltpu.SemaphoreType.DMA,
            pltpu.SemaphoreType.DMA,
            pltpu.SemaphoreType.DMA,
        ],
    )
    def k(es1_hbm, es2_hbm, ti_hbm, fi_hbm, out_hbm,
          b10, b20, b11, b21, it0, if0, it1, if1, acc,
          l0, l1, a10, a20, a11, a21):
        cid = lax.axis_index("c")
        sid = lax.axis_index("s")
        wid = sid * 2 + cid
        base = wid * (nblk * _BES)
        tr0 = sid * rpt

        zv = jnp.zeros((16,), jnp.float32)

        def zrow(r, carry):
            for cc in range(d // 16):
                b10[r, pl.ds(cc * 16, 16)] = zv
            return carry

        lax.fori_loop(0, _BES, zrow, 0)
        nz = rpt // _BES

        def zinit(i, carry):
            pltpu.async_copy(b10, acc.at[pl.ds(tr0 + i * _BES, _BES)], l0)
            return carry

        lax.fori_loop(0, nz, zinit, 0)

        def zdrain(i, carry):
            pltpu.make_async_copy(b10, acc.at[pl.ds(tr0, _BES)], l0).wait()
            return carry

        lax.fori_loop(0, nz, zdrain, 0)
        plsc.subcore_barrier()
        stages = ((b10, b20, it0, if0, l0, a10, a20),
                  (b11, b21, it1, if1, l1, a11, a21))

        def fire_l(j, b1, b2, it, if_, lsem):
            r0 = base + j * _BES
            pltpu.async_copy(es1_hbm.at[pl.ds(r0, _BES)], b1, lsem)
            pltpu.async_copy(es2_hbm.at[pl.ds(r0, _BES)], b2, lsem)
            pltpu.async_copy(ti_hbm.at[pl.ds(r0, _BES)], it, lsem)
            pltpu.async_copy(fi_hbm.at[pl.ds(r0, _BES)], if_, lsem)

        def wait_l(j, b1, b2, it, if_, lsem):
            r0 = base + j * _BES
            pltpu.make_async_copy(es1_hbm.at[pl.ds(r0, _BES)], b1, lsem).wait()
            pltpu.make_async_copy(es2_hbm.at[pl.ds(r0, _BES)], b2, lsem).wait()
            pltpu.make_async_copy(ti_hbm.at[pl.ds(r0, _BES)], it, lsem).wait()
            pltpu.make_async_copy(fi_hbm.at[pl.ds(r0, _BES)], if_, lsem).wait()

        def stage_step(j, st_refs):
            b1, b2, it, if_, lsem, a1, a2 = st_refs
            wait_l(j, b1, b2, it, if_, lsem)
            c1 = pltpu.async_copy(b1, acc.at[it], a1, add=True)
            c2 = pltpu.async_copy(b2, acc.at[if_], a2, add=True)
            return c1, c2

        fire_l(0, *stages[0][:5])
        fire_l(1, *stages[1][:5])

        def body(j, carry):
            for st in (0, 1):
                @pl.when(lax.rem(j, 2) == st)
                def _():
                    c1, c2 = stage_step(j, stages[st])
                    c1.wait()
                    c2.wait()
                    fire_l(j + 2, *stages[st][:5])
            return carry

        lax.fori_loop(0, nblk - 2, body, 0)
        for j in (nblk - 2, nblk - 1):
            c1, c2 = stage_step(j, stages[j % 2])
            c1.wait()
            c2.wait()
        plsc.subcore_barrier()
        pltpu.sync_copy(acc.at[pl.ds(tr0, rpt)],
                        out_hbm.at[pl.ds(cid * na + tr0, rpt)])

    return k(es1, es2, ti, fi)



def _gru_body(ns_ref, p0_ref, p1_ref,
              wih0, whh0, bih0, bhh0,
              wih1, whh1, bih1, bhh1,
              wih2, whh2, bih2, bhh2, out_ref):
    d = ns_ref.shape[1]

    def cell(x, h, wih, whh, bih, bhh):
        dn = (((1,), (1,)), ((), ()))
        gi = lax.dot_general(x, wih[...], dn,
                             preferred_element_type=jnp.float32) + bih[...]
        gh = lax.dot_general(h, whh[...], dn,
                             preferred_element_type=jnp.float32) + bhh[...]
        r = jax.nn.sigmoid(gi[:, :d] + gh[:, :d])
        z = jax.nn.sigmoid(gi[:, d:2 * d] + gh[:, d:2 * d])
        nn = jnp.tanh(gi[:, 2 * d:] + r * gh[:, 2 * d:])
        return (1.0 - z) * nn + z * h

    x0 = ns_ref[...]
    agg = p0_ref[...] + p1_ref[...]
    n1 = cell(x0, agg, wih0, whh0, bih0, bhh0)
    n2 = cell(agg, n1, wih1, whh1, bih1, bhh1)
    out_ref[...] = cell(n1, n2, wih2, whh2, bih2, bhh2)


def _gru(ns, p0, p1, weights):
    n, d = ns.shape
    bn = 2000
    wspecs = [pl.BlockSpec(w.shape, lambda i: (0, 0)) for w in weights]
    return pl.pallas_call(
        _gru_body,
        grid=(n // bn,),
        in_specs=[pl.BlockSpec((bn, d), lambda i: (i, 0)),
                  pl.BlockSpec((bn, d), lambda i: (i, 0)),
                  pl.BlockSpec((bn, d), lambda i: (i, 0))] + wspecs,
        out_specs=pl.BlockSpec((bn, d), lambda i: (i, 0)),
        out_shape=jax.ShapeDtypeStruct((n, d), jnp.float32),
    )(ns, p0, p1, *weights)



def kernel(node_states, from_idx, to_idx, edge_features, graph_idx,
           mW1, mb1, mW2, mb2, mW3, mb3,
           g0_Wih, g0_Whh, g0_bih, g0_bhh,
           g1_Wih, g1_Whh, g1_bih, g1_bhh,
           g2_Wih, g2_Whh, g2_bih, g2_bhh):
    n, d = node_states.shape
    e = from_idx.shape[0]

    s_tab = _node_proj(node_states, mW1[:d], mW1[d:2 * d])

    fi3 = from_idx.reshape(_NW, -1, _BE)
    ti3 = to_idx.reshape(_NW, -1, _BE)
    sf, st = _sc_gather(s_tab, fi3, ti3)

    es1, es2 = _mlp_tail(edge_features, sf, st,
                         mW1[2 * d:], mb1.reshape(1, -1),
                         mW2.astype(jnp.bfloat16), mb2.reshape(1, -1),
                         mW3.astype(jnp.bfloat16), mb3.reshape(1, -1))

    parts = _sc_scatter(es1, es2, to_idx, from_idx)

    weights = [g0_Wih, g0_Whh, g0_bih.reshape(1, -1), g0_bhh.reshape(1, -1),
               g1_Wih, g1_Whh, g1_bih.reshape(1, -1), g1_bhh.reshape(1, -1),
               g2_Wih, g2_Whh, g2_bih.reshape(1, -1), g2_bhh.reshape(1, -1)]
    return _gru(node_states, parts[:n], parts[_NA:_NA + n], weights)

# --- scband reference (transcript-rebuilt; emitter-appended) ---
"""Pipeline reference for scband-graph-prop-layer-72730976190873 (READ-ONLY COPY).

The authoritative reference and input builder live on the scoring server;
editing this copy changes nothing except your own understanding.
"""

import jax, jax.numpy as jnp
import numpy as np

N = 10000
E = 320000
D = 128
H = 128

def mlp(x, W1, b1, W2, b2, W3, b3):
    h = jax.nn.relu(x @ W1 + b1)
    h = jax.nn.relu(h @ W2 + b2)
    return h @ W3 + b3

def gru_cell(x, h, Wih, Whh, bih, bhh):
    gi = x @ Wih.T + bih
    gh = h @ Whh.T + bhh
    i_r, i_z, i_n = jnp.split(gi, 3, axis=1)
    h_r, h_z, h_n = jnp.split(gh, 3, axis=1)
    r = jax.nn.sigmoid(i_r + h_r)
    z = jax.nn.sigmoid(i_z + h_z)
    n = jnp.tanh(i_n + r * h_n)
    return (1.0 - z) * n + z * h

def setup_inputs(seed: int = 0):
    key = jax.random.key(seed)
    ks = jax.random.split(key, 24)
    sc = 0.05
    d = {}
    d['node_states'] = jax.random.normal(ks[0], (N, D), dtype=jnp.float32)
    d['from_idx'] = jax.random.randint(ks[1], (E,), 0, N, dtype=jnp.int32)
    d['to_idx'] = jax.random.randint(ks[2], (E,), 0, N, dtype=jnp.int32)
    d['edge_features'] = jax.random.normal(ks[3], (E, D), dtype=jnp.float32)
    d['graph_idx'] = jax.random.randint(ks[4], (N,), 0, 16, dtype=jnp.int32)
    d['mW1'] = jax.random.normal(ks[5], (3 * D, H), dtype=jnp.float32) * sc
    d['mb1'] = jnp.zeros((H,), dtype=jnp.float32)
    d['mW2'] = jax.random.normal(ks[6], (H, H), dtype=jnp.float32) * sc
    d['mb2'] = jnp.zeros((H,), dtype=jnp.float32)
    d['mW3'] = jax.random.normal(ks[7], (H, D), dtype=jnp.float32) * sc
    d['mb3'] = jnp.zeros((D,), dtype=jnp.float32)
    for i, name in enumerate(['g0', 'g1', 'g2']):
        d[name + '_Wih'] = jax.random.normal(ks[8 + 4 * i], (3 * D, D), dtype=jnp.float32) * sc
        d[name + '_Whh'] = jax.random.normal(ks[9 + 4 * i], (3 * D, D), dtype=jnp.float32) * sc
        d[name + '_bih'] = jnp.zeros((3 * D,), dtype=jnp.float32)
        d[name + '_bhh'] = jnp.zeros((3 * D,), dtype=jnp.float32)
    return d

def reference(node_states, from_idx, to_idx, edge_features, graph_idx,
              mW1, mb1, mW2, mb2, mW3, mb3,
              g0_Wih, g0_Whh, g0_bih, g0_bhh,
              g1_Wih, g1_Whh, g1_bih, g1_bhh,
              g2_Wih, g2_Whh, g2_bih, g2_bhh):
    def prop_once(ns, fi, ti):
        from_states = jnp.take(ns, fi, axis=0)
        to_states = jnp.take(ns, ti, axis=0)
        edge_inputs = jnp.concatenate([from_states, to_states, edge_features], axis=1)
        edge_states = mlp(edge_inputs, mW1, mb1, mW2, mb2, mW3, mb3)
        return jnp.zeros_like(ns).at[ti].add(edge_states)

    aggregated = prop_once(node_states, from_idx, to_idx)
    aggregated = aggregated + prop_once(node_states, to_idx, from_idx)
    new1 = gru_cell(node_states, aggregated, g0_Wih, g0_Whh, g0_bih, g0_bhh)
    new2 = gru_cell(aggregated, new1, g1_Wih, g1_Whh, g1_bih, g1_bhh)
    new3 = gru_cell(new1, new2, g2_Wih, g2_Whh, g2_bih, g2_bhh)
    return new3

if __name__ == "__main__":
    import jax
    _d = setup_inputs()
    print(jax.jit(kernel)(*tuple(_d.values())))

</pallas_src>

<mosaic_0001>
#map = affine_map<(d0, d1) -> (0, 0)>
#map1 = affine_map<(d0, d1) -> (0, 0, 0)>
module attributes {stable_mosaic.version = 14 : i64} {
  func.func @k(%arg0: i32, %arg1: i32, %arg2: memref<10000x128xi32, #tpu.memory_space<hbm>>, %arg3: memref<32x125x80xi32, #tpu.memory_space<hbm>>, %arg4: memref<32x125x80xi32, #tpu.memory_space<hbm>>, %arg5: memref<320000x128xi32, #tpu.memory_space<hbm>>, %arg6: memref<320000x128xi32, #tpu.memory_space<hbm>>, %arg7: memref<125x80xi32, #tpu.memory_space<vmem>>, %arg8: memref<125x80xi32, #tpu.memory_space<vmem>>, %arg9: memref<80x128xi32, #tpu.memory_space<vmem>>, %arg10: memref<80x128xi32, #tpu.memory_space<vmem>>, %arg11: memref<80x128xi32, #tpu.memory_space<vmem>>, %arg12: memref<80x128xi32, #tpu.memory_space<vmem>>, %arg13: memref<80x128xi32, #tpu.memory_space<vmem>>, %arg14: memref<80x128xi32, #tpu.memory_space<vmem>>, %arg15: memref<!tpu.dma_semaphore, #tpu.memory_space<semaphore_mem>>, %arg16: memref<!tpu.dma_semaphore, #tpu.memory_space<semaphore_mem>>, %arg17: memref<!tpu.dma_semaphore, #tpu.memory_space<semaphore_mem>>, %arg18: memref<!tpu.dma_semaphore, #tpu.memory_space<semaphore_mem>>, %arg19: memref<!tpu.dma_semaphore, #tpu.memory_space<semaphore_mem>>, %arg20: memref<!tpu.dma_semaphore, #tpu.memory_space<semaphore_mem>>) attributes {dimension_semantics = [#tpu.dimension_semantics<core_parallel>, #tpu.dimension_semantics<subcore_parallel>], iteration_bounds = array<i64: 2, 16>, scalar_prefetch = 0 : i64, scratch_operands = 14 : i64, tpu.core_type = #tpu.core_type<sc_vector_subcore>, window_params = [{transform_indices = #map}, {transform_indices = #map1}, {transform_indices = #map1}, {transform_indices = #map}, {transform_indices = #map}]} {
    %mul3A = arith.constant 2 : i32
    %mul3A_0 = arith.muli %arg1, %mul3A : i32
    %add3A = arith.addi %mul3A_0, %arg0 : i32
    %mul3A_1 = arith.constant 10000 : i32
    %mul3A_2 = arith.muli %add3A, %mul3A_1 : i32
    "tpu.region"() ({
      %run_scoped3A = tpu.sem_alloc : memref<!tpu.dma_semaphore, #tpu.memory_space<semaphore_mem>>
      %dma_start3A_72 = arith.constant 0 : i32
      %dma_start3A_73 = arith.constant 0 : i32
      %dma_start3A_74 = tpu.memref_slice %arg3[%add3A, %dma_start3A_72, %dma_start3A_73] : memref<32x125x80xi32, #tpu.memory_space<hbm>> -> memref<1x125x80xi32, #tpu.memory_space<hbm>>
      %dma_start3A_75 = tpu.memref_squeeze %dma_start3A_74 : memref<1x125x80xi32, #tpu.memory_space<hbm>> -> memref<125x80xi32, #tpu.memory_space<hbm>>
      %dma_start3A_76 = arith.constant 0 : i32
      %dma_start3A_77 = arith.constant 0 : i32
      %dma_start3A_78 = tpu.memref_slice %arg3[%add3A, %dma_start3A_76, %dma_start3A_77] : memref<32x125x80xi32, #tpu.memory_space<hbm>> -> memref<1x125x80xi32, #tpu.memory_space<hbm>>
      %dma_start3A_79 = tpu.memref_squeeze %dma_start3A_78 : memref<1x125x80xi32, #tpu.memory_space<hbm>> -> memref<125x80xi32, #tpu.memory_space<hbm>>
      tpu.enqueue_dma source(%dma_start3A_79 : memref<125x80xi32, #tpu.memory_space<hbm>>) target(%arg7 : memref<125x80xi32, #tpu.memory_space<vmem>>) target_semaphore(%run_scoped3A : memref<!tpu.dma_semaphore, #tpu.memory_space<semaphore_mem>>)
      %dma_wait3A_80 = arith.constant 0 : i32
      %dma_wait3A_81 = arith.constant 0 : i32
      %dma_wait3A_82 = tpu.memref_slice %arg3[%add3A, %dma_wait3A_80, %dma_wait3A_81] : memref<32x125x80xi32, #tpu.memory_space<hbm>> -> memref<1x125x80xi32, #tpu.memory_space<hbm>>
      %dma_wait3A_83 = tpu.memref_squeeze %dma_wait3A_82 : memref<1x125x80xi32, #tpu.memory_space<hbm>> -> memref<125x80xi32, #tpu.memory_space<hbm>>
      %dma_wait3A_84 = arith.constant 0 : i32
      %dma_wait3A_85 = arith.constant 0 : i32
      %dma_wait3A_86 = tpu.memref_slice %arg3[%add3A, %dma_wait3A_84, %dma_wait3A_85] : memref<32x125x80xi32, #tpu.memory_space<hbm>> -> memref<1x125x80xi32, #tpu.memory_space<hbm>>
      %dma_wait3A_87 = tpu.memref_squeeze %dma_wait3A_86 : memref<1x125x80xi32, #tpu.memory_space<hbm>> -> memref<125x80xi32, #tpu.memory_space<hbm>>
      tpu.wait_dma2 semaphore(%run_scoped3A : memref<!tpu.dma_semaphore, #tpu.memory_space<semaphore_mem>>) src(%dma_wait3A_87 : memref<125x80xi32, #tpu.memory_space<hbm>>) dst(%arg7 : memref<125x80xi32, #tpu.memory_space<vmem>>)
      tpu.yield
    }) : () -> ()
    "tpu.region"() ({
      %run_scoped3A = tpu.sem_alloc : memref<!tpu.dma_semaphore, #tpu.memory_space<semaphore_mem>>
      %dma_start3A_72 = arith.constant 0 : i32
      %dma_start3A_73 = arith.constant 0 : i32
      %dma_start3A_74 = tpu.memref_slice %arg4[%add3A, %dma_start3A_72, %dma_start3A_73] : memref<32x125x80xi32, #tpu.memory_space<hbm>> -> memref<1x125x80xi32, #tpu.memory_space<hbm>>
      %dma_start3A_75 = tpu.memref_squeeze %dma_start3A_74 : memref<1x125x80xi32, #tpu.memory_space<hbm>> -> memref<125x80xi32, #tpu.memory_space<hbm>>
      %dma_start3A_76 = arith.constant 0 : i32
      %dma_start3A_77 = arith.constant 0 : i32
      %dma_start3A_78 = tpu.memref_slice %arg4[%add3A, %dma_start3A_76, %dma_start3A_77] : memref<32x125x80xi32, #tpu.memory_space<hbm>> -> memref<1x125x80xi32, #tpu.memory_space<hbm>>
      %dma_start3A_79 = tpu.memref_squeeze %dma_start3A_78 : memref<1x125x80xi32, #tpu.memory_space<hbm>> -> memref<125x80xi32, #tpu.memory_space<hbm>>
      tpu.enqueue_dma source(%dma_start3A_79 : memref<125x80xi32, #tpu.memory_space<hbm>>) target(%arg8 : memref<125x80xi32, #tpu.memory_space<vmem>>) target_semaphore(%run_scoped3A : memref<!tpu.dma_semaphore, #tpu.memory_space<semaphore_mem>>)
      %dma_wait3A_80 = arith.constant 0 : i32
      %dma_wait3A_81 = arith.constant 0 : i32
      %dma_wait3A_82 = tpu.memref_slice %arg4[%add3A, %dma_wait3A_80, %dma_wait3A_81] : memref<32x125x80xi32, #tpu.memory_space<hbm>> -> memref<1x125x80xi32, #tpu.memory_space<hbm>>
      %dma_wait3A_83 = tpu.memref_squeeze %dma_wait3A_82 : memref<1x125x80xi32, #tpu.memory_space<hbm>> -> memref<125x80xi32, #tpu.memory_space<hbm>>
      %dma_wait3A_84 = arith.constant 0 : i32
      %dma_wait3A_85 = arith.constant 0 : i32
      %dma_wait3A_86 = tpu.memref_slice %arg4[%add3A, %dma_wait3A_84, %dma_wait3A_85] : memref<32x125x80xi32, #tpu.memory_space<hbm>> -> memref<1x125x80xi32, #tpu.memory_space<hbm>>
      %dma_wait3A_87 = tpu.memref_squeeze %dma_wait3A_86 : memref<1x125x80xi32, #tpu.memory_space<hbm>> -> memref<125x80xi32, #tpu.memory_space<hbm>>
      tpu.wait_dma2 semaphore(%run_scoped3A : memref<!tpu.dma_semaphore, #tpu.memory_space<semaphore_mem>>) src(%dma_wait3A_87 : memref<125x80xi32, #tpu.memory_space<hbm>>) dst(%arg8 : memref<125x80xi32, #tpu.memory_space<vmem>>)
      tpu.yield
    }) : () -> ()
    %dma_start3A = arith.constant 0 : i32
    %dma_start3A_3 = arith.constant 0 : i32
    %dma_start3A_4 = tpu.memref_slice %arg7[%dma_start3A, %dma_start3A_3] : memref<125x80xi32, #tpu.memory_space<vmem>> -> memref<1x80xi32, #tpu.memory_space<vmem>>
    %dma_start3A_5 = tpu.memref_squeeze %dma_start3A_4 : memref<1x80xi32, #tpu.memory_space<vmem>> -> memref<80xi32, #tpu.memory_space<vmem>>
    %dma_start3A_6 = arith.constant 0 : i32
    %dma_start3A_7 = arith.constant 0 : i32
    %dma_start3A_8 = tpu.memref_slice %arg2[%dma_start3A_6, %dma_start3A_7] : memref<10000x128xi32, #tpu.memory_space<hbm>> -> memref<10000x128xi32, #tpu.memory_space<hbm>>
    tpu.enqueue_indirect_dma source(%dma_start3A_8 : memref<10000x128xi32, #tpu.memory_space<hbm>>) target(%arg9 : memref<80x128xi32, #tpu.memory_space<vmem>>) offsets(%dma_start3A_5 : memref<80xi32, #tpu.memory_space<vmem>>) semaphore(%arg15 : memref<!tpu.dma_semaphore, #tpu.memory_space<semaphore_mem>>)
    %dma_start3A_9 = arith.constant 0 : i32
    %dma_start3A_10 = arith.constant 0 : i32
    %dma_start3A_11 = tpu.memref_slice %arg8[%dma_start3A_9, %dma_start3A_10] : memref<125x80xi32, #tpu.memory_space<vmem>> -> memref<1x80xi32, #tpu.memory_space<vmem>>
    %dma_start3A_12 = tpu.memref_squeeze %dma_start3A_11 : memref<1x80xi32, #tpu.memory_space<vmem>> -> memref<80xi32, #tpu.memory_space<vmem>>
    %dma_start3A_13 = arith.constant 0 : i32
    %dma_start3A_14 = arith.constant 0 : i32
    %dma_start3A_15 = tpu.memref_slice %arg2[%dma_start3A_13, %dma_start3A_14] : memref<10000x128xi32, #tpu.memory_space<hbm>> -> memref<10000x128xi32, #tpu.memory_space<hbm>>
    tpu.enqueue_indirect_dma source(%dma_start3A_15 : memref<10000x128xi32, #tpu.memory_space<hbm>>) target(%arg10 : memref<80x128xi32, #tpu.memory_space<vmem>>) offsets(%dma_start3A_12 : memref<80xi32, #tpu.memory_space<vmem>>) semaphore(%arg15 : memref<!tpu.dma_semaphore, #tpu.memory_space<semaphore_mem>>)
    %dma_start3A_16 = arith.constant 1 : i32
    %dma_start3A_17 = arith.constant 0 : i32
    %dma_start3A_18 = tpu.memref_slice %arg7[%dma_start3A_16, %dma_start3A_17] : memref<125x80xi32, #tpu.memory_space<vmem>> -> memref<1x80xi32, #tpu.memory_space<vmem>>
    %dma_start3A_19 = tpu.memref_squeeze %dma_start3A_18 : memref<1x80xi32, #tpu.memory_space<vmem>> -> memref<80xi32, #tpu.memory_space<vmem>>
    %dma_start3A_20 = arith.constant 0 : i32
    %dma_start3A_21 = arith.constant 0 : i32
    %dma_start3A_22 = tpu.memref_slice %arg2[%dma_start3A_20, %dma_start3A_21] : memref<10000x128xi32, #tpu.memory_space<hbm>> -> memref<10000x128xi32, #tpu.memory_space<hbm>>
    tpu.enqueue_indirect_dma source(%dma_start3A_22 : memref<10000x128xi32, #tpu.memory_space<hbm>>) target(%arg11 : memref<80x128xi32, #tpu.memory_space<vmem>>) offsets(%dma_start3A_19 : memref<80xi32, #tpu.memory_space<vmem>>) semaphore(%arg16 : memref<!tpu.dma_semaphore, #tpu.memory_space<semaphore_mem>>)
    %dma_start3A_23 = arith.constant 1 : i32
    %dma_start3A_24 = arith.constant 0 : i32
    %dma_start3A_25 = tpu.memref_slice %arg8[%dma_start3A_23, %dma_start3A_24] : memref<125x80xi32, #tpu.memory_space<vmem>> -> memref<1x80xi32, #tpu.memory_space<vmem>>
    %dma_start3A_26 = tpu.memref_squeeze %dma_start3A_25 : memref<1x80xi32, #tpu.memory_space<vmem>> -> memref<80xi32, #tpu.memory_space<vmem>>
    %dma_start3A_27 = arith.constant 0 : i32
    %dma_start3A_28 = arith.constant 0 : i32
    %dma_start3A_29 = tpu.memref_slice %arg2[%dma_start3A_27, %dma_start3A_28] : memref<10000x128xi32, #tpu.memory_space<hbm>> -> memref<10000x128xi32, #tpu.memory_space<hbm>>
    tpu.enqueue_indirect_dma source(%dma_start3A_29 : memref<10000x128xi32, #tpu.memory_space<hbm>>) target(%arg12 : memref<80x128xi32, #tpu.memory_space<vmem>>) offsets(%dma_start3A_26 : memref<80xi32, #tpu.memory_space<vmem>>) semaphore(%arg16 : memref<!tpu.dma_semaphore, #tpu.memory_space<semaphore_mem>>)
    %dma_start3A_30 = arith.constant 2 : i32
    %dma_start3A_31 = arith.constant 0 : i32
    %dma_start3A_32 = tpu.memref_slice %arg7[%dma_start3A_30, %dma_start3A_31] : memref<125x80xi32, #tpu.memory_space<vmem>> -> memref<1x80xi32, #tpu.memory_space<vmem>>
    %dma_start3A_33 = tpu.memref_squeeze %dma_start3A_32 : memref<1x80xi32, #tpu.memory_space<vmem>> -> memref<80xi32, #tpu.memory_space<vmem>>
    %dma_start3A_34 = arith.constant 0 : i32
    %dma_start3A_35 = arith.constant 0 : i32
    %dma_start3A_36 = tpu.memref_slice %arg2[%dma_start3A_34, %dma_start3A_35] : memref<10000x128xi32, #tpu.memory_space<hbm>> -> memref<10000x128xi32, #tpu.memory_space<hbm>>
    tpu.enqueue_indirect_dma source(%dma_start3A_36 : memref<10000x128xi32, #tpu.memory_space<hbm>>) target(%arg13 : memref<80x128xi32, #tpu.memory_space<vmem>>) offsets(%dma_start3A_33 : memref<80xi32, #tpu.memory_space<vmem>>) semaphore(%arg17 : memref<!tpu.dma_semaphore, #tpu.memory_space<semaphore_mem>>)
    %dma_start3A_37 = arith.constant 2 : i32
    %dma_start3A_38 = arith.constant 0 : i32
    %dma_start3A_39 = tpu.memref_slice %arg8[%dma_start3A_37, %dma_start3A_38] : memref<125x80xi32, #tpu.memory_space<vmem>> -> memref<1x80xi32, #tpu.memory_space<vmem>>
    %dma_start3A_40 = tpu.memref_squeeze %dma_start3A_39 : memref<1x80xi32, #tpu.memory_space<vmem>> -> memref<80xi32, #tpu.memory_space<vmem>>
    %dma_start3A_41 = arith.constant 0 : i32
    %dma_start3A_42 = arith.constant 0 : i32
    %dma_start3A_43 = tpu.memref_slice %arg2[%dma_start3A_41, %dma_start3A_42] : memref<10000x128xi32, #tpu.memory_space<hbm>> -> memref<10000x128xi32, #tpu.memory_space<hbm>>
    tpu.enqueue_indirect_dma source(%dma_start3A_43 : memref<10000x128xi32, #tpu.memory_space<hbm>>) target(%arg14 : memref<80x128xi32, #tpu.memory_space<vmem>>) offsets(%dma_start3A_40 : memref<80xi32, #tpu.memory_space<vmem>>) semaphore(%arg17 : memref<!tpu.dma_semaphore, #tpu.memory_space<semaphore_mem>>)
    %scan3A = arith.constant 0 : i32
    %scan3A_44 = arith.constant 0 : i32
    %scan3A_45 = arith.constant 125 : i32
    %scan3A_46 = arith.addi %scan3A_44, %scan3A_45 : i32
    %scan3A_47 = arith.constant 1 : i32
    scf.for %scan3A_72 = %scan3A_44 to %scan3A_46 step %scan3A_47  : i32 {
      %rem3A = arith.constant 3 : i32
      %rem3A_73 = arith.remsi %scan3A_72, %rem3A : i32
      %eq3A = arith.constant 0 : i32
      %eq3A_74 = arith.cmpi eq, %rem3A_73, %eq3A : i32
      %convert_element_type3A = arith.extui %eq3A_74 : i1 to i32
      %cond3A = arith.constant 0 : i32
      %cond3A_75 = arith.cmpi ne, %convert_element_type3A, %cond3A : i32
      scf.if %cond3A_75 {
        %dma_wait3A_90 = arith.constant 0 : i32
        %dma_wait3A_91 = tpu.memref_slice %arg7[%scan3A_72, %dma_wait3A_90] : memref<125x80xi32, #tpu.memory_space<vmem>> -> memref<1x80xi32, #tpu.memory_space<vmem>>
        %dma_wait3A_92 = tpu.memref_squeeze %dma_wait3A_91 : memref<1x80xi32, #tpu.memory_space<vmem>> -> memref<80xi32, #tpu.memory_space<vmem>>
        %dma_wait3A_93 = arith.constant 0 : i32
        %dma_wait3A_94 = arith.constant 0 : i32
        %dma_wait3A_95 = tpu.memref_slice %arg2[%dma_wait3A_93, %dma_wait3A_94] : memref<10000x128xi32, #tpu.memory_space<hbm>> -> memref<10000x128xi32, #tpu.memory_space<hbm>>
        tpu.wait_indirect_dma semaphore(%arg15 : memref<!tpu.dma_semaphore, #tpu.memory_space<semaphore_mem>>) src(%dma_wait3A_95 : memref<10000x128xi32, #tpu.memory_space<hbm>>) dst(%arg9 : memref<80x128xi32, #tpu.memory_space<vmem>>)
        %dma_wait3A_96 = arith.constant 0 : i32
        %dma_wait3A_97 = tpu.memref_slice %arg8[%scan3A_72, %dma_wait3A_96] : memref<125x80xi32, #tpu.memory_space<vmem>> -> memref<1x80xi32, #tpu.memory_space<vmem>>
        %dma_wait3A_98 = tpu.memref_squeeze %dma_wait3A_97 : memref<1x80xi32, #tpu.memory_space<vmem>> -> memref<80xi32, #tpu.memory_space<vmem>>
        %dma_wait3A_99 = arith.constant 0 : i32
        %dma_wait3A_100 = arith.constant 0 : i32
        %dma_wait3A_101 = tpu.memref_slice %arg2[%dma_wait3A_99, %dma_wait3A_100] : memref<10000x128xi32, #tpu.memory_space<hbm>> -> memref<10000x128xi32, #tpu.memory_space<hbm>>
        tpu.wait_indirect_dma semaphore(%arg15 : memref<!tpu.dma_semaphore, #tpu.memory_space<semaphore_mem>>) src(%dma_wait3A_101 : memref<10000x128xi32, #tpu.memory_space<hbm>>) dst(%arg10 : memref<80x128xi32, #tpu.memory_space<vmem>>)
        %mul3A_102 = arith.constant 80 : i32
        %mul3A_103 = arith.muli %scan3A_72, %mul3A_102 : i32
        %add3A_104 = arith.addi %mul3A_2, %mul3A_103 : i32
        %dma_start3A_105 = arith.constant 0 : i32
        %dma_start3A_106 = tpu.memref_slice %arg5[%add3A_104, %dma_start3A_105] : memref<320000x128xi32, #tpu.memory_space<hbm>> -> memref<80x128xi32, #tpu.memory_space<hbm>>
        %dma_start3A_107 = arith.constant 0 : i32
        %dma_start3A_108 = tpu.memref_slice %arg5[%add3A_104, %dma_start3A_107] : memref<320000x128xi32, #tpu.memory_space<hbm>> -> memref<80x128xi32, #tpu.memory_space<hbm>>
        tpu.enqueue_dma source(%arg9 : memref<80x128xi32, #tpu.memory_space<vmem>>) target(%dma_start3A_108 : memref<80x128xi32, #tpu.memory_space<hbm>>) target_semaphore(%arg18 : memref<!tpu.dma_semaphore, #tpu.memory_space<semaphore_mem>>)
        %dma_start3A_109 = arith.constant 0 : i32
        %dma_start3A_110 = tpu.memref_slice %arg6[%add3A_104, %dma_start3A_109] : memref<320000x128xi32, #tpu.memory_space<hbm>> -> memref<80x128xi32, #tpu.memory_space<hbm>>
        %dma_start3A_111 = arith.constant 0 : i32
        %dma_start3A_112 = tpu.memref_slice %arg6[%add3A_104, %dma_start3A_111] : memref<320000x128xi32, #tpu.memory_space<hbm>> -> memref<80x128xi32, #tpu.memory_space<hbm>>
        tpu.enqueue_dma source(%arg10 : memref<80x128xi32, #tpu.memory_space<vmem>>) target(%dma_start3A_112 : memref<80x128xi32, #tpu.memory_space<hbm>>) target_semaphore(%arg18 : memref<!tpu.dma_semaphore, #tpu.memory_space<semaphore_mem>>)
        %add3A_113 = arith.constant 3 : i32
        %add3A_114 = arith.addi %scan3A_72, %add3A_113 : i32
        %lt3A = arith.constant 125 : i32
        %lt3A_115 = arith.cmpi slt, %add3A_114, %lt3A : i32
        %convert_element_type3A_116 = arith.extui %lt3A_115 : i1 to i32
        %cond3A_117 = arith.constant 0 : i32
        %cond3A_118 = arith.cmpi ne, %convert_element_type3A_116, %cond3A_117 : i32
        scf.if %cond3A_118 {
          %dma_wait3A_119 = arith.constant 0 : i32
          %dma_wait3A_120 = tpu.memref_slice %arg5[%add3A_104, %dma_wait3A_119] : memref<320000x128xi32, #tpu.memory_space<hbm>> -> memref<80x128xi32, #tpu.memory_space<hbm>>
          %dma_wait3A_121 = arith.constant 0 : i32
          %dma_wait3A_122 = tpu.memref_slice %arg5[%add3A_104, %dma_wait3A_121] : memref<320000x128xi32, #tpu.memory_space<hbm>> -> memref<80x128xi32, #tpu.memory_space<hbm>>
          tpu.wait_dma2 semaphore(%arg18 : memref<!tpu.dma_semaphore, #tpu.memory_space<semaphore_mem>>) src(%arg9 : memref<80x128xi32, #tpu.memory_space<vmem>>) dst(%dma_wait3A_122 : memref<80x128xi32, #tpu.memory_space<hbm>>)
          %dma_wait3A_123 = arith.constant 0 : i32
          %dma_wait3A_124 = tpu.memref_slice %arg6[%add3A_104, %dma_wait3A_123] : memref<320000x128xi32, #tpu.memory_space<hbm>> -> memref<80x128xi32, #tpu.memory_space<hbm>>
          %dma_wait3A_125 = arith.constant 0 : i32
          %dma_wait3A_126 = tpu.memref_slice %arg6[%add3A_104, %dma_wait3A_125] : memref<320000x128xi32, #tpu.memory_space<hbm>> -> memref<80x128xi32, #tpu.memory_space<hbm>>
          tpu.wait_dma2 semaphore(%arg18 : memref<!tpu.dma_semaphore, #tpu.memory_space<semaphore_mem>>) src(%arg10 : memref<80x128xi32, #tpu.memory_space<vmem>>) dst(%dma_wait3A_126 : memref<80x128xi32, #tpu.memory_space<hbm>>)
          %add3A_127 = arith.constant 3 : i32
          %add3A_128 = arith.addi %scan3A_72, %add3A_127 : i32
          %dma_start3A_129 = arith.constant 0 : i32
          %dma_start3A_130 = tpu.memref_slice %arg7[%add3A_128, %dma_start3A_129] : memref<125x80xi32, #tpu.memory_space<vmem>> -> memref<1x80xi32, #tpu.memory_space<vmem>>
          %dma_start3A_131 = tpu.memref_squeeze %dma_start3A_130 : memref<1x80xi32, #tpu.memory_space<vmem>> -> memref<80xi32, #tpu.memory_space<vmem>>
          %dma_start3A_132 = arith.constant 0 : i32
          %dma_start3A_133 = arith.constant 0 : i32
          %dma_start3A_134 = tpu.memref_slice %arg2[%dma_start3A_132, %dma_start3A_133] : memref<10000x128xi32, #tpu.memory_space<hbm>> -> memref<10000x128xi32, #tpu.memory_space<hbm>>
          tpu.enqueue_indirect_dma source(%dma_start3A_134 : memref<10000x128xi32, #tpu.memory_space<hbm>>) target(%arg9 : memref<80x128xi32, #tpu.memory_space<vmem>>) offsets(%dma_start3A_131 : memref<80xi32, #tpu.memory_space<vmem>>) semaphore(%arg15 : memref<!tpu.dma_semaphore, #tpu.memory_space<semaphore_mem>>)
          %dma_start3A_135 = arith.constant 0 : i32
          %dma_start3A_136 = tpu.memref_slice %arg8[%add3A_128, %dma_start3A_135] : memref<125x80xi32, #tpu.memory_space<vmem>> -> memref<1x80xi32, #tpu.memory_space<vmem>>
          %dma_start3A_137 = tpu.memref_squeeze %dma_start3A_136 : memref<1x80xi32, #tpu.memory_space<vmem>> -> memref<80xi32, #tpu.memory_space<vmem>>
          %dma_start3A_138 = arith.constant 0 : i32
          %dma_start3A_139 = arith.constant 0 : i32
          %dma_start3A_140 = tpu.memref_slice %arg2[%dma_start3A_138, %dma_start3A_139] : memref<10000x128xi32, #tpu.memory_space<hbm>> -> memref<10000x128xi32, #tpu.memory_space<hbm>>
          tpu.enqueue_indirect_dma source(%dma_start3A_140 : memref<10000x128xi32, #tpu.memory_space<hbm>>) target(%arg10 : memref<80x128xi32, #tpu.memory_space<vmem>>) offsets(%dma_start3A_137 : memref<80xi32, #tpu.memory_space<vmem>>) semaphore(%arg15 : memref<!tpu.dma_semaphore, #tpu.memory_space<semaphore_mem>>)
        } else {
        }
      } else {
      }
      %rem3A_76 = arith.constant 3 : i32
      %rem3A_77 = arith.remsi %scan3A_72, %rem3A_76 : i32
      %eq3A_78 = arith.constant 1 : i32
      %eq3A_79 = arith.cmpi eq, %rem3A_77, %eq3A_78 : i32
      %convert_element_type3A_80 = arith.extui %eq3A_79 : i1 to i32
      %cond3A_81 = arith.constant 0 : i32
      %cond3A_82 = arith.cmpi ne, %convert_element_type3A_80, %cond3A_81 : i32
      scf.if %cond3A_82 {
        %dma_wait3A_90 = arith.constant 0 : i32
        %dma_wait3A_91 = tpu.memref_slice %arg7[%scan3A_72, %dma_wait3A_90] : memref<125x80xi32, #tpu.memory_space<vmem>> -> memref<1x80xi32, #tpu.memory_space<vmem>>
        %dma_wait3A_92 = tpu.memref_squeeze %dma_wait3A_91 : memref<1x80xi32, #tpu.memory_space<vmem>> -> memref<80xi32, #tpu.memory_space<vmem>>
        %dma_wait3A_93 = arith.constant 0 : i32
        %dma_wait3A_94 = arith.constant 0 : i32
        %dma_wait3A_95 = tpu.memref_slice %arg2[%dma_wait3A_93, %dma_wait3A_94] : memref<10000x128xi32, #tpu.memory_space<hbm>> -> memref<10000x128xi32, #tpu.memory_space<hbm>>
        tpu.wait_indirect_dma semaphore(%arg16 : memref<!tpu.dma_semaphore, #tpu.memory_space<semaphore_mem>>) src(%dma_wait3A_95 : memref<10000x128xi32, #tpu.memory_space<hbm>>) dst(%arg11 : memref<80x128xi32, #tpu.memory_space<vmem>>)
        %dma_wait3A_96 = arith.constant 0 : i32
        %dma_wait3A_97 = tpu.memref_slice %arg8[%scan3A_72, %dma_wait3A_96] : memref<125x80xi32, #tpu.memory_space<vmem>> -> memref<1x80xi32, #tpu.memory_space<vmem>>
        %dma_wait3A_98 = tpu.memref_squeeze %dma_wait3A_97 : memref<1x80xi32, #tpu.memory_space<vmem>> -> memref<80xi32, #tpu.memory_space<vmem>>
        %dma_wait3A_99 = arith.constant 0 : i32
        %dma_wait3A_100 = arith.constant 0 : i32
        %dma_wait3A_101 = tpu.memref_slice %arg2[%dma_wait3A_99, %dma_wait3A_100] : memref<10000x128xi32, #tpu.memory_space<hbm>> -> memref<10000x128xi32, #tpu.memory_space<hbm>>
        tpu.wait_indirect_dma semaphore(%arg16 : memref<!tpu.dma_semaphore, #tpu.memory_space<semaphore_mem>>) src(%dma_wait3A_101 : memref<10000x128xi32, #tpu.memory_space<hbm>>) dst(%arg12 : memref<80x128xi32, #tpu.memory_space<vmem>>)
        %mul3A_102 = arith.constant 80 : i32
        %mul3A_103 = arith.muli %scan3A_72, %mul3A_102 : i32
        %add3A_104 = arith.addi %mul3A_2, %mul3A_103 : i32
        %dma_start3A_105 = arith.constant 0 : i32
        %dma_start3A_106 = tpu.memref_slice %arg5[%add3A_104, %dma_start3A_105] : memref<320000x128xi32, #tpu.memory_space<hbm>> -> memref<80x128xi32, #tpu.memory_space<hbm>>
        %dma_start3A_107 = arith.constant 0 : i32
        %dma_start3A_108 = tpu.memref_slice %arg5[%add3A_104, %dma_start3A_107] : memref<320000x128xi32, #tpu.memory_space<hbm>> -> memref<80x128xi32, #tpu.memory_space<hbm>>
        tpu.enqueue_dma source(%arg11 : memref<80x128xi32, #tpu.memory_space<vmem>>) target(%dma_start3A_108 : memref<80x128xi32, #tpu.memory_space<hbm>>) target_semaphore(%arg19 : memref<!tpu.dma_semaphore, #tpu.memory_space<semaphore_mem>>)
        %dma_start3A_109 = arith.constant 0 : i32
        %dma_start3A_110 = tpu.memref_slice %arg6[%add3A_104, %dma_start3A_109] : memref<320000x128xi32, #tpu.memory_space<hbm>> -> memref<80x128xi32, #tpu.memory_space<hbm>>
        %dma_start3A_111 = arith.constant 0 : i32
        %dma_start3A_112 = tpu.memref_slice %arg6[%add3A_104, %dma_start3A_111] : memref<320000x128xi32, #tpu.memory_space<hbm>> -> memref<80x128xi32, #tpu.memory_space<hbm>>
        tpu.enqueue_dma source(%arg12 : memref<80x128xi32, #tpu.memory_space<vmem>>) target(%dma_start3A_112 : memref<80x128xi32, #tpu.memory_space<hbm>>) target_semaphore(%arg19 : memref<!tpu.dma_semaphore, #tpu.memory_space<semaphore_mem>>)
        %add3A_113 = arith.constant 3 : i32
        %add3A_114 = arith.addi %scan3A_72, %add3A_113 : i32
        %lt3A = arith.constant 125 : i32
        %lt3A_115 = arith.cmpi slt, %add3A_114, %lt3A : i32
        %convert_element_type3A_116 = arith.extui %lt3A_115 : i1 to i32
        %cond3A_117 = arith.constant 0 : i32
        %cond3A_118 = arith.cmpi ne, %convert_element_type3A_116, %cond3A_117 : i32
        scf.if %cond3A_118 {
          %dma_wait3A_119 = arith.constant 0 : i32
          %dma_wait3A_120 = tpu.memref_slice %arg5[%add3A_104, %dma_wait3A_119] : memref<320000x128xi32, #tpu.memory_space<hbm>> -> memref<80x128xi32, #tpu.memory_space<hbm>>
          %dma_wait3A_121 = arith.constant 0 : i32
          %dma_wait3A_122 = tpu.memref_slice %arg5[%add3A_104, %dma_wait3A_121] : memref<320000x128xi32, #tpu.memory_space<hbm>> -> memref<80x128xi32, #tpu.memory_space<hbm>>
          tpu.wait_dma2 semaphore(%arg19 : memref<!tpu.dma_semaphore, #tpu.memory_space<semaphore_mem>>) src(%arg11 : memref<80x128xi32, #tpu.memory_space<vmem>>) dst(%dma_wait3A_122 : memref<80x128xi32, #tpu.memory_space<hbm>>)
          %dma_wait3A_123 = arith.constant 0 : i32
          %dma_wait3A_124 = tpu.memref_slice %arg6[%add3A_104, %dma_wait3A_123] : memref<320000x128xi32, #tpu.memory_space<hbm>> -> memref<80x128xi32, #tpu.memory_space<hbm>>
          %dma_wait3A_125 = arith.constant 0 : i32
          %dma_wait3A_126 = tpu.memref_slice %arg6[%add3A_104, %dma_wait3A_125] : memref<320000x128xi32, #tpu.memory_space<hbm>> -> memref<80x128xi32, #tpu.memory_space<hbm>>
          tpu.wait_dma2 semaphore(%arg19 : memref<!tpu.dma_semaphore, #tpu.memory_space<semaphore_mem>>) src(%arg12 : memref<80x128xi32, #tpu.memory_space<vmem>>) dst(%dma_wait3A_126 : memref<80x128xi32, #tpu.memory_space<hbm>>)
          %add3A_127 = arith.constant 3 : i32
          %add3A_128 = arith.addi %scan3A_72, %add3A_127 : i32
          %dma_start3A_129 = arith.constant 0 : i32
          %dma_start3A_130 = tpu.memref_slice %arg7[%add3A_128, %dma_start3A_129] : memref<125x80xi32, #tpu.memory_space<vmem>> -> memref<1x80xi32, #tpu.memory_space<vmem>>
          %dma_start3A_131 = tpu.memref_squeeze %dma_start3A_130 : memref<1x80xi32, #tpu.memory_space<vmem>> -> memref<80xi32, #tpu.memory_space<vmem>>
          %dma_start3A_132 = arith.constant 0 : i32
          %dma_start3A_133 = arith.constant 0 : i32
          %dma_start3A_134 = tpu.memref_slice %arg2[%dma_start3A_132, %dma_start3A_133] : memref<10000x128xi32, #tpu.memory_space<hbm>> -> memref<10000x128xi32, #tpu.memory_space<hbm>>
          tpu.enqueue_indirect_dma source(%dma_start3A_134 : memref<10000x128xi32, #tpu.memory_space<hbm>>) target(%arg11 : memref<80x128xi32, #tpu.memory_space<vmem>>) offsets(%dma_start3A_131 : memref<80xi32, #tpu.memory_space<vmem>>) semaphore(%arg16 : memref<!tpu.dma_semaphore, #tpu.memory_space<semaphore_mem>>)
          %dma_start3A_135 = arith.constant 0 : i32
          %dma_start3A_136 = tpu.memref_slice %arg8[%add3A_128, %dma_start3A_135] : memref<125x80xi32, #tpu.memory_space<vmem>> -> memref<1x80xi32, #tpu.memory_space<vmem>>
          %dma_start3A_137 = tpu.memref_squeeze %dma_start3A_136 : memref<1x80xi32, #tpu.memory_space<vmem>> -> memref<80xi32, #tpu.memory_space<vmem>>
          %dma_start3A_138 = arith.constant 0 : i32
          %dma_start3A_139 = arith.constant 0 : i32
          %dma_start3A_140 = tpu.memref_slice %arg2[%dma_start3A_138, %dma_start3A_139] : memref<10000x128xi32, #tpu.memory_space<hbm>> -> memref<10000x128xi32, #tpu.memory_space<hbm>>
          tpu.enqueue_indirect_dma source(%dma_start3A_140 : memref<10000x128xi32, #tpu.memory_space<hbm>>) target(%arg12 : memref<80x128xi32, #tpu.memory_space<vmem>>) offsets(%dma_start3A_137 : memref<80xi32, #tpu.memory_space<vmem>>) semaphore(%arg16 : memref<!tpu.dma_semaphore, #tpu.memory_space<semaphore_mem>>)
        } else {
        }
      } else {
      }
      %rem3A_83 = arith.constant 3 : i32
      %rem3A_84 = arith.remsi %scan3A_72, %rem3A_83 : i32
      %eq3A_85 = arith.constant 2 : i32
      %eq3A_86 = arith.cmpi eq, %rem3A_84, %eq3A_85 : i32
      %convert_element_type3A_87 = arith.extui %eq3A_86 : i1 to i32
      %cond3A_88 = arith.constant 0 : i32
      %cond3A_89 = arith.cmpi ne, %convert_element_type3A_87, %cond3A_88 : i32
      scf.if %cond3A_89 {
        %dma_wait3A_90 = arith.constant 0 : i32
        %dma_wait3A_91 = tpu.memref_slice %arg7[%scan3A_72, %dma_wait3A_90] : memref<125x80xi32, #tpu.memory_space<vmem>> -> memref<1x80xi32, #tpu.memory_space<vmem>>
        %dma_wait3A_92 = tpu.memref_squeeze %dma_wait3A_91 : memref<1x80xi32, #tpu.memory_space<vmem>> -> memref<80xi32, #tpu.memory_space<vmem>>
        %dma_wait3A_93 = arith.constant 0 : i32
        %dma_wait3A_94 = arith.constant 0 : i32
        %dma_wait3A_95 = tpu.memref_slice %arg2[%dma_wait3A_93, %dma_wait3A_94] : memref<10000x128xi32, #tpu.memory_space<hbm>> -> memref<10000x128xi32, #tpu.memory_space<hbm>>
        tpu.wait_indirect_dma semaphore(%arg17 : memref<!tpu.dma_semaphore, #tpu.memory_space<semaphore_mem>>) src(%dma_wait3A_95 : memref<10000x128xi32, #tpu.memory_space<hbm>>) dst(%arg13 : memref<80x128xi32, #tpu.memory_space<vmem>>)
        %dma_wait3A_96 = arith.constant 0 : i32
        %dma_wait3A_97 = tpu.memref_slice %arg8[%scan3A_72, %dma_wait3A_96] : memref<125x80xi32, #tpu.memory_space<vmem>> -> memref<1x80xi32, #tpu.memory_space<vmem>>
        %dma_wait3A_98 = tpu.memref_squeeze %dma_wait3A_97 : memref<1x80xi32, #tpu.memory_space<vmem>> -> memref<80xi32, #tpu.memory_space<vmem>>
        %dma_wait3A_99 = arith.constant 0 : i32
        %dma_wait3A_100 = arith.constant 0 : i32
        %dma_wait3A_101 = tpu.memref_slice %arg2[%dma_wait3A_99, %dma_wait3A_100] : memref<10000x128xi32, #tpu.memory_space<hbm>> -> memref<10000x128xi32, #tpu.memory_space<hbm>>
        tpu.wait_indirect_dma semaphore(%arg17 : memref<!tpu.dma_semaphore, #tpu.memory_space<semaphore_mem>>) src(%dma_wait3A_101 : memref<10000x128xi32, #tpu.memory_space<hbm>>) dst(%arg14 : memref<80x128xi32, #tpu.memory_space<vmem>>)
        %mul3A_102 = arith.constant 80 : i32
        %mul3A_103 = arith.muli %scan3A_72, %mul3A_102 : i32
        %add3A_104 = arith.addi %mul3A_2, %mul3A_103 : i32
        %dma_start3A_105 = arith.constant 0 : i32
        %dma_start3A_106 = tpu.memref_slice %arg5[%add3A_104, %dma_start3A_105] : memref<320000x128xi32, #tpu.memory_space<hbm>> -> memref<80x128xi32, #tpu.memory_space<hbm>>
        %dma_start3A_107 = arith.constant 0 : i32
        %dma_start3A_108 = tpu.memref_slice %arg5[%add3A_104, %dma_start3A_107] : memref<320000x128xi32, #tpu.memory_space<hbm>> -> memref<80x128xi32, #tpu.memory_space<hbm>>
        tpu.enqueue_dma source(%arg13 : memref<80x128xi32, #tpu.memory_space<vmem>>) target(%dma_start3A_108 : memref<80x128xi32, #tpu.memory_space<hbm>>) target_semaphore(%arg20 : memref<!tpu.dma_semaphore, #tpu.memory_space<semaphore_mem>>)
        %dma_start3A_109 = arith.constant 0 : i32
        %dma_start3A_110 = tpu.memref_slice %arg6[%add3A_104, %dma_start3A_109] : memref<320000x128xi32, #tpu.memory_space<hbm>> -> memref<80x128xi32, #tpu.memory_space<hbm>>
        %dma_start3A_111 = arith.constant 0 : i32
        %dma_start3A_112 = tpu.memref_slice %arg6[%add3A_104, %dma_start3A_111] : memref<320000x128xi32, #tpu.memory_space<hbm>> -> memref<80x128xi32, #tpu.memory_space<hbm>>
        tpu.enqueue_dma source(%arg14 : memref<80x128xi32, #tpu.memory_space<vmem>>) target(%dma_start3A_112 : memref<80x128xi32, #tpu.memory_space<hbm>>) target_semaphore(%arg20 : memref<!tpu.dma_semaphore, #tpu.memory_space<semaphore_mem>>)
        %add3A_113 = arith.constant 3 : i32
        %add3A_114 = arith.addi %scan3A_72, %add3A_113 : i32
        %lt3A = arith.constant 125 : i32
        %lt3A_115 = arith.cmpi slt, %add3A_114, %lt3A : i32
        %convert_element_type3A_116 = arith.extui %lt3A_115 : i1 to i32
        %cond3A_117 = arith.constant 0 : i32
        %cond3A_118 = arith.cmpi ne, %convert_element_type3A_116, %cond3A_117 : i32
        scf.if %cond3A_118 {
          %dma_wait3A_119 = arith.constant 0 : i32
          %dma_wait3A_120 = tpu.memref_slice %arg5[%add3A_104, %dma_wait3A_119] : memref<320000x128xi32, #tpu.memory_space<hbm>> -> memref<80x128xi32, #tpu.memory_space<hbm>>
          %dma_wait3A_121 = arith.constant 0 : i32
          %dma_wait3A_122 = tpu.memref_slice %arg5[%add3A_104, %dma_wait3A_121] : memref<320000x128xi32, #tpu.memory_space<hbm>> -> memref<80x128xi32, #tpu.memory_space<hbm>>
          tpu.wait_dma2 semaphore(%arg20 : memref<!tpu.dma_semaphore, #tpu.memory_space<semaphore_mem>>) src(%arg13 : memref<80x128xi32, #tpu.memory_space<vmem>>) dst(%dma_wait3A_122 : memref<80x128xi32, #tpu.memory_space<hbm>>)
          %dma_wait3A_123 = arith.constant 0 : i32
          %dma_wait3A_124 = tpu.memref_slice %arg6[%add3A_104, %dma_wait3A_123] : memref<320000x128xi32, #tpu.memory_space<hbm>> -> memref<80x128xi32, #tpu.memory_space<hbm>>
          %dma_wait3A_125 = arith.constant 0 : i32
          %dma_wait3A_126 = tpu.memref_slice %arg6[%add3A_104, %dma_wait3A_125] : memref<320000x128xi32, #tpu.memory_space<hbm>> -> memref<80x128xi32, #tpu.memory_space<hbm>>
          tpu.wait_dma2 semaphore(%arg20 : memref<!tpu.dma_semaphore, #tpu.memory_space<semaphore_mem>>) src(%arg14 : memref<80x128xi32, #tpu.memory_space<vmem>>) dst(%dma_wait3A_126 : memref<80x128xi32, #tpu.memory_space<hbm>>)
          %add3A_127 = arith.constant 3 : i32
          %add3A_128 = arith.addi %scan3A_72, %add3A_127 : i32
          %dma_start3A_129 = arith.constant 0 : i32
          %dma_start3A_130 = tpu.memref_slice %arg7[%add3A_128, %dma_start3A_129] : memref<125x80xi32, #tpu.memory_space<vmem>> -> memref<1x80xi32, #tpu.memory_space<vmem>>
          %dma_start3A_131 = tpu.memref_squeeze %dma_start3A_130 : memref<1x80xi32, #tpu.memory_space<vmem>> -> memref<80xi32, #tpu.memory_space<vmem>>
          %dma_start3A_132 = arith.constant 0 : i32
          %dma_start3A_133 = arith.constant 0 : i32
          %dma_start3A_134 = tpu.memref_slice %arg2[%dma_start3A_132, %dma_start3A_133] : memref<10000x128xi32, #tpu.memory_space<hbm>> -> memref<10000x128xi32, #tpu.memory_space<hbm>>
          tpu.enqueue_indirect_dma source(%dma_start3A_134 : memref<10000x128xi32, #tpu.memory_space<hbm>>) target(%arg13 : memref<80x128xi32, #tpu.memory_space<vmem>>) offsets(%dma_start3A_131 : memref<80xi32, #tpu.memory_space<vmem>>) semaphore(%arg17 : memref<!tpu.dma_semaphore, #tpu.memory_space<semaphore_mem>>)
          %dma_start3A_135 = arith.constant 0 : i32
          %dma_start3A_136 = tpu.memref_slice %arg8[%add3A_128, %dma_start3A_135] : memref<125x80xi32, #tpu.memory_space<vmem>> -> memref<1x80xi32, #tpu.memory_space<vmem>>
          %dma_start3A_137 = tpu.memref_squeeze %dma_start3A_136 : memref<1x80xi32, #tpu.memory_space<vmem>> -> memref<80xi32, #tpu.memory_space<vmem>>
          %dma_start3A_138 = arith.constant 0 : i32
          %dma_start3A_139 = arith.constant 0 : i32
          %dma_start3A_140 = tpu.memref_slice %arg2[%dma_start3A_138, %dma_start3A_139] : memref<10000x128xi32, #tpu.memory_space<hbm>> -> memref<10000x128xi32, #tpu.memory_space<hbm>>
          tpu.enqueue_indirect_dma source(%dma_start3A_140 : memref<10000x128xi32, #tpu.memory_space<hbm>>) target(%arg14 : memref<80x128xi32, #tpu.memory_space<vmem>>) offsets(%dma_start3A_137 : memref<80xi32, #tpu.memory_space<vmem>>) semaphore(%arg17 : memref<!tpu.dma_semaphore, #tpu.memory_space<semaphore_mem>>)
        } else {
        }
      } else {
      }
    }
    %scan3A_48 = arith.constant 125 : i32
    %dma_wait3A = arith.constant 0 : i32
    %dma_wait3A_49 = tpu.memref_slice %arg5[%mul3A_2, %dma_wait3A] : memref<320000x128xi32, #tpu.memory_space<hbm>> -> memref<80x128xi32, #tpu.memory_space<hbm>>
    %dma_wait3A_50 = arith.constant 0 : i32
    %dma_wait3A_51 = tpu.memref_slice %arg5[%mul3A_2, %dma_wait3A_50] : memref<320000x128xi32, #tpu.memory_space<hbm>> -> memref<80x128xi32, #tpu.memory_space<hbm>>
    tpu.wait_dma2 semaphore(%arg18 : memref<!tpu.dma_semaphore, #tpu.memory_space<semaphore_mem>>) src(%arg9 : memref<80x128xi32, #tpu.memory_space<vmem>>) dst(%dma_wait3A_51 : memref<80x128xi32, #tpu.memory_space<hbm>>)
    %dma_wait3A_52 = arith.constant 0 : i32
    %dma_wait3A_53 = tpu.memref_slice %arg6[%mul3A_2, %dma_wait3A_52] : memref<320000x128xi32, #tpu.memory_space<hbm>> -> memref<80x128xi32, #tpu.memory_space<hbm>>
    %dma_wait3A_54 = arith.constant 0 : i32
    %dma_wait3A_55 = tpu.memref_slice %arg6[%mul3A_2, %dma_wait3A_54] : memref<320000x128xi32, #tpu.memory_space<hbm>> -> memref<80x128xi32, #tpu.memory_space<hbm>>
    tpu.wait_dma2 semaphore(%arg18 : memref<!tpu.dma_semaphore, #tpu.memory_space<semaphore_mem>>) src(%arg10 : memref<80x128xi32, #tpu.memory_space<vmem>>) dst(%dma_wait3A_55 : memref<80x128xi32, #tpu.memory_space<hbm>>)
    %dma_wait3A_56 = arith.constant 0 : i32
    %dma_wait3A_57 = tpu.memref_slice %arg5[%mul3A_2, %dma_wait3A_56] : memref<320000x128xi32, #tpu.memory_space<hbm>> -> memref<80x128xi32, #tpu.memory_space<hbm>>
    %dma_wait3A_58 = arith.constant 0 : i32
    %dma_wait3A_59 = tpu.memref_slice %arg5[%mul3A_2, %dma_wait3A_58] : memref<320000x128xi32, #tpu.memory_space<hbm>> -> memref<80x128xi32, #tpu.memory_space<hbm>>
    tpu.wait_dma2 semaphore(%arg19 : memref<!tpu.dma_semaphore, #tpu.memory_space<semaphore_mem>>) src(%arg11 : memref<80x128xi32, #tpu.memory_space<vmem>>) dst(%dma_wait3A_59 : memref<80x128xi32, #tpu.memory_space<hbm>>)
    %dma_wait3A_60 = arith.constant 0 : i32
    %dma_wait3A_61 = tpu.memref_slice %arg6[%mul3A_2, %dma_wait3A_60] : memref<320000x128xi32, #tpu.memory_space<hbm>> -> memref<80x128xi32, #tpu.memory_space<hbm>>
    %dma_wait3A_62 = arith.constant 0 : i32
    %dma_wait3A_63 = tpu.memref_slice %arg6[%mul3A_2, %dma_wait3A_62] : memref<320000x128xi32, #tpu.memory_space<hbm>> -> memref<80x128xi32, #tpu.memory_space<hbm>>
    tpu.wait_dma2 semaphore(%arg19 : memref<!tpu.dma_semaphore, #tpu.memory_space<semaphore_mem>>) src(%arg12 : memref<80x128xi32, #tpu.memory_space<vmem>>) dst(%dma_wait3A_63 : memref<80x128xi32, #tpu.memory_space<hbm>>)
    %dma_wait3A_64 = arith.constant 0 : i32
    %dma_wait3A_65 = tpu.memref_slice %arg5[%mul3A_2, %dma_wait3A_64] : memref<320000x128xi32, #tpu.memory_space<hbm>> -> memref<80x128xi32, #tpu.memory_space<hbm>>
    %dma_wait3A_66 = arith.constant 0 : i32
    %dma_wait3A_67 = tpu.memref_slice %arg5[%mul3A_2, %dma_wait3A_66] : memref<320000x128xi32, #tpu.memory_space<hbm>> -> memref<80x128xi32, #tpu.memory_space<hbm>>
    tpu.wait_dma2 semaphore(%arg20 : memref<!tpu.dma_semaphore, #tpu.memory_space<semaphore_mem>>) src(%arg13 : memref<80x128xi32, #tpu.memory_space<vmem>>) dst(%dma_wait3A_67 : memref<80x128xi32, #tpu.memory_space<hbm>>)
    %dma_wait3A_68 = arith.constant 0 : i32
    %dma_wait3A_69 = tpu.memref_slice %arg6[%mul3A_2, %dma_wait3A_68] : memref<320000x128xi32, #tpu.memory_space<hbm>> -> memref<80x128xi32, #tpu.memory_space<hbm>>
    %dma_wait3A_70 = arith.constant 0 : i32
    %dma_wait3A_71 = tpu.memref_slice %arg6[%mul3A_2, %dma_wait3A_70] : memref<320000x128xi32, #tpu.memory_space<hbm>> -> memref<80x128xi32, #tpu.memory_space<hbm>>
    tpu.wait_dma2 semaphore(%arg20 : memref<!tpu.dma_semaphore, #tpu.memory_space<semaphore_mem>>) src(%arg14 : memref<80x128xi32, #tpu.memory_space<vmem>>) dst(%dma_wait3A_71 : memref<80x128xi32, #tpu.memory_space<hbm>>)
    return
  }
}

#map = affine_map<(d0, d1) -> (0, 0)>
#map1 = affine_map<(d0, d1) -> (0)>
module attributes {stable_mosaic.version = 14 : i64} {
  func.func @k(%arg0: i32, %arg1: i32, %arg2: memref<320000x128xf32, #tpu.memory_space<hbm>>, %arg3: memref<320000x128xf32, #tpu.memory_space<hbm>>, %arg4: memref<320000xi32, #tpu.memory_space<hbm>>, %arg5: memref<320000xi32, #tpu.memory_space<hbm>>, %arg6: memref<20480x128xf32, #tpu.memory_space<hbm>>, %arg7: memref<40x128xf32, #tpu.memory_space<vmem>>, %arg8: memref<40x128xf32, #tpu.memory_space<vmem>>, %arg9: memref<40x128xf32, #tpu.memory_space<vmem>>, %arg10: memref<40x128xf32, #tpu.memory_space<vmem>>, %arg11: memref<40xi32, #tpu.memory_space<vmem>>, %arg12: memref<40xi32, #tpu.memory_space<vmem>>, %arg13: memref<40xi32, #tpu.memory_space<vmem>>, %arg14: memref<40xi32, #tpu.memory_space<vmem>>, %arg15: memref<10240x128xf32, #tpu.memory_space<vmem_shared>>, %arg16: memref<!tpu.dma_semaphore, #tpu.memory_space<semaphore_mem>>, %arg17: memref<!tpu.dma_semaphore, #tpu.memory_space<semaphore_mem>>, %arg18: memref<!tpu.dma_semaphore, #tpu.memory_space<semaphore_mem>>, %arg19: memref<!tpu.dma_semaphore, #tpu.memory_space<semaphore_mem>>, %arg20: memref<!tpu.dma_semaphore, #tpu.memory_space<semaphore_mem>>, %arg21: memref<!tpu.dma_semaphore, #tpu.memory_space<semaphore_mem>>) attributes {dimension_semantics = [#tpu.dimension_semantics<core_parallel>, #tpu.dimension_semantics<subcore_parallel>], iteration_bounds = array<i64: 2, 16>, scalar_prefetch = 0 : i64, scratch_operands = 15 : i64, tpu.core_type = #tpu.core_type<sc_vector_subcore>, window_params = [{transform_indices = #map}, {transform_indices = #map}, {transform_indices = #map1}, {transform_indices = #map1}, {transform_indices = #map}]} {
    %mul3A = arith.constant 2 : i32
    %mul3A_0 = arith.muli %arg1, %mul3A : i32
    %add3A = arith.addi %mul3A_0, %arg0 : i32
    %mul3A_1 = arith.constant 10000 : i32
    %mul3A_2 = arith.muli %add3A, %mul3A_1 : i32
    %mul3A_3 = arith.constant 640 : i32
    %mul3A_4 = arith.muli %arg1, %mul3A_3 : i32
    %broadcast_in_dim3A = arith.constant 0.000000e+00 : f32
    %broadcast_in_dim3A_5 = vector.broadcast %broadcast_in_dim3A : f32 to vector<16xf32>
    %scan3A = arith.constant 0 : i32
    %scan3A_6 = arith.constant 0 : i32
    %scan3A_7 = arith.constant 40 : i32
    %scan3A_8 = arith.addi %scan3A_6, %scan3A_7 : i32
    %scan3A_9 = arith.constant 1 : i32
    scf.for %scan3A_111 = %scan3A_6 to %scan3A_8 step %scan3A_9  : i32 {
      %swap3A = arith.index_cast %scan3A_111 : i32 to index
      %swap3A_112 = arith.constant 0 : index
      %swap3A_113 = tpu.vector_load %arg7[%swap3A, %swap3A_112] {strides = array<i32>} : memref<40x128xf32, #tpu.memory_space<vmem>>, vector<1x16xf32>,
      %swap3A_114 = vector.shape_cast %swap3A_113 : vector<1x16xf32> to vector<16xf32>
      %swap3A_115 = vector.shape_cast %broadcast_in_dim3A_5 : vector<16xf32> to vector<1x16xf32>
      tpu.vector_store %arg7[%swap3A, %swap3A_112], %swap3A_115 {strides = array<i32>} : memref<40x128xf32, #tpu.memory_space<vmem>>, vector<1x16xf32>,
      %swap3A_116 = arith.index_cast %scan3A_111 : i32 to index
      %swap3A_117 = arith.constant 16 : index
      %swap3A_118 = tpu.vector_load %arg7[%swap3A_116, %swap3A_117] {strides = array<i32>} : memref<40x128xf32, #tpu.memory_space<vmem>>, vector<1x16xf32>,
      %swap3A_119 = vector.shape_cast %swap3A_118 : vector<1x16xf32> to vector<16xf32>
      %swap3A_120 = vector.shape_cast %broadcast_in_dim3A_5 : vector<16xf32> to vector<1x16xf32>
      tpu.vector_store %arg7[%swap3A_116, %swap3A_117], %swap3A_120 {strides = array<i32>} : memref<40x128xf32, #tpu.memory_space<vmem>>, vector<1x16xf32>,
      %swap3A_121 = arith.index_cast %scan3A_111 : i32 to index
      %swap3A_122 = arith.constant 32 : index
      %swap3A_123 = tpu.vector_load %arg7[%swap3A_121, %swap3A_122] {strides = array<i32>} : memref<40x128xf32, #tpu.memory_space<vmem>>, vector<1x16xf32>,
      %swap3A_124 = vector.shape_cast %swap3A_123 : vector<1x16xf32> to vector<16xf32>
      %swap3A_125 = vector.shape_cast %broadcast_in_dim3A_5 : vector<16xf32> to vector<1x16xf32>
      tpu.vector_store %arg7[%swap3A_121, %swap3A_122], %swap3A_125 {strides = array<i32>} : memref<40x128xf32, #tpu.memory_space<vmem>>, vector<1x16xf32>,
      %swap3A_126 = arith.index_cast %scan3A_111 : i32 to index
      %swap3A_127 = arith.constant 48 : index
      %swap3A_128 = tpu.vector_load %arg7[%swap3A_126, %swap3A_127] {strides = array<i32>} : memref<40x128xf32, #tpu.memory_space<vmem>>, vector<1x16xf32>,
      %swap3A_129 = vector.shape_cast %swap3A_128 : vector<1x16xf32> to vector<16xf32>
      %swap3A_130 = vector.shape_cast %broadcast_in_dim3A_5 : vector<16xf32> to vector<1x16xf32>
      tpu.vector_store %arg7[%swap3A_126, %swap3A_127], %swap3A_130 {strides = array<i32>} : memref<40x128xf32, #tpu.memory_space<vmem>>, vector<1x16xf32>,
      %swap3A_131 = arith.index_cast %scan3A_111 : i32 to index
      %swap3A_132 = arith.constant 64 : index
      %swap3A_133 = tpu.vector_load %arg7[%swap3A_131, %swap3A_132] {strides = array<i32>} : memref<40x128xf32, #tpu.memory_space<vmem>>, vector<1x16xf32>,
      %swap3A_134 = vector.shape_cast %swap3A_133 : vector<1x16xf32> to vector<16xf32>
      %swap3A_135 = vector.shape_cast %broadcast_in_dim3A_5 : vector<16xf32> to vector<1x16xf32>
      tpu.vector_store %arg7[%swap3A_131, %swap3A_132], %swap3A_135 {strides = array<i32>} : memref<40x128xf32, #tpu.memory_space<vmem>>, vector<1x16xf32>,
      %swap3A_136 = arith.index_cast %scan3A_111 : i32 to index
      %swap3A_137 = arith.constant 80 : index
      %swap3A_138 = tpu.vector_load %arg7[%swap3A_136, %swap3A_137] {strides = array<i32>} : memref<40x128xf32, #tpu.memory_space<vmem>>, vector<1x16xf32>,
      %swap3A_139 = vector.shape_cast %swap3A_138 : vector<1x16xf32> to vector<16xf32>
      %swap3A_140 = vector.shape_cast %broadcast_in_dim3A_5 : vector<16xf32> to vector<1x16xf32>
      tpu.vector_store %arg7[%swap3A_136, %swap3A_137], %swap3A_140 {strides = array<i32>} : memref<40x128xf32, #tpu.memory_space<vmem>>, vector<1x16xf32>,
      %swap3A_141 = arith.index_cast %scan3A_111 : i32 to index
      %swap3A_142 = arith.constant 96 : index
      %swap3A_143 = tpu.vector_load %arg7[%swap3A_141, %swap3A_142] {strides = array<i32>} : memref<40x128xf32, #tpu.memory_space<vmem>>, vector<1x16xf32>,
      %swap3A_144 = vector.shape_cast %swap3A_143 : vector<1x16xf32> to vector<16xf32>
      %swap3A_145 = vector.shape_cast %broadcast_in_dim3A_5 : vector<16xf32> to vector<1x16xf32>
      tpu.vector_store %arg7[%swap3A_141, %swap3A_142], %swap3A_145 {strides = array<i32>} : memref<40x128xf32, #tpu.memory_space<vmem>>, vector<1x16xf32>,
      %swap3A_146 = arith.index_cast %scan3A_111 : i32 to index
      %swap3A_147 = arith.constant 112 : index
      %swap3A_148 = tpu.vector_load %arg7[%swap3A_146, %swap3A_147] {strides = array<i32>} : memref<40x128xf32, #tpu.memory_space<vmem>>, vector<1x16xf32>,
      %swap3A_149 = vector.shape_cast %swap3A_148 : vector<1x16xf32> to vector<16xf32>
      %swap3A_150 = vector.shape_cast %broadcast_in_dim3A_5 : vector<16xf32> to vector<1x16xf32>
      tpu.vector_store %arg7[%swap3A_146, %swap3A_147], %swap3A_150 {strides = array<i32>} : memref<40x128xf32, #tpu.memory_space<vmem>>, vector<1x16xf32>,
    }
    %scan3A_10 = arith.constant 40 : i32
    %scan3A_11 = arith.constant 0 : i32
    %scan3A_12 = arith.constant 0 : i32
    %scan3A_13 = arith.constant 16 : i32
    %scan3A_14 = arith.addi %scan3A_12, %scan3A_13 : i32
    %scan3A_15 = arith.constant 1 : i32
    scf.for %scan3A_111 = %scan3A_12 to %scan3A_14 step %scan3A_15  : i32 {
      %mul3A_112 = arith.constant 40 : i32
      %mul3A_113 = arith.muli %scan3A_111, %mul3A_112 : i32
      %add3A_114 = arith.addi %mul3A_4, %mul3A_113 : i32
      %dma_start3A_115 = arith.constant 0 : i32
      %dma_start3A_116 = tpu.memref_slice %arg15[%add3A_114, %dma_start3A_115] : memref<10240x128xf32, #tpu.memory_space<vmem_shared>> -> memref<40x128xf32, #tpu.memory_space<vmem_shared>>
      %dma_start3A_117 = arith.constant 0 : i32
      %dma_start3A_118 = tpu.memref_slice %arg15[%add3A_114, %dma_start3A_117] : memref<10240x128xf32, #tpu.memory_space<vmem_shared>> -> memref<40x128xf32, #tpu.memory_space<vmem_shared>>
      tpu.enqueue_dma source(%arg7 : memref<40x128xf32, #tpu.memory_space<vmem>>) target(%dma_start3A_118 : memref<40x128xf32, #tpu.memory_space<vmem_shared>>) target_semaphore(%arg16 : memref<!tpu.dma_semaphore, #tpu.memory_space<semaphore_mem>>)
    }
    %scan3A_16 = arith.constant 16 : i32
    %scan3A_17 = arith.constant 0 : i32
    %scan3A_18 = arith.constant 0 : i32
    %scan3A_19 = arith.constant 16 : i32
    %scan3A_20 = arith.addi %scan3A_18, %scan3A_19 : i32
    %scan3A_21 = arith.constant 1 : i32
    scf.for %scan3A_111 = %scan3A_18 to %scan3A_20 step %scan3A_21  : i32 {
      %dma_wait3A_112 = arith.constant 0 : i32
      %dma_wait3A_113 = tpu.memref_slice %arg15[%mul3A_4, %dma_wait3A_112] : memref<10240x128xf32, #tpu.memory_space<vmem_shared>> -> memref<40x128xf32, #tpu.memory_space<vmem_shared>>
      %dma_wait3A_114 = arith.constant 0 : i32
      %dma_wait3A_115 = tpu.memref_slice %arg15[%mul3A_4, %dma_wait3A_114] : memref<10240x128xf32, #tpu.memory_space<vmem_shared>> -> memref<40x128xf32, #tpu.memory_space<vmem_shared>>
      tpu.wait_dma2 semaphore(%arg16 : memref<!tpu.dma_semaphore, #tpu.memory_space<semaphore_mem>>) src(%arg7 : memref<40x128xf32, #tpu.memory_space<vmem>>) dst(%dma_wait3A_115 : memref<40x128xf32, #tpu.memory_space<vmem_shared>>)
    }
    %scan3A_22 = arith.constant 16 : i32
    %barrier3A = arith.constant 0 : index
    tpu.barrier barrier_id(%barrier3A)
    %add3A_23 = arith.constant 0 : i32
    %add3A_24 = arith.addi %mul3A_2, %add3A_23 : i32
    %dma_start3A = arith.constant 0 : i32
    %dma_start3A_25 = tpu.memref_slice %arg2[%add3A_24, %dma_start3A] : memref<320000x128xf32, #tpu.memory_space<hbm>> -> memref<40x128xf32, #tpu.memory_space<hbm>>
    %dma_start3A_26 = arith.constant 0 : i32
    %dma_start3A_27 = tpu.memref_slice %arg2[%add3A_24, %dma_start3A_26] : memref<320000x128xf32, #tpu.memory_space<hbm>> -> memref<40x128xf32, #tpu.memory_space<hbm>>
    tpu.enqueue_dma source(%dma_start3A_27 : memref<40x128xf32, #tpu.memory_space<hbm>>) target(%arg7 : memref<40x128xf32, #tpu.memory_space<vmem>>) target_semaphore(%arg16 : memref<!tpu.dma_semaphore, #tpu.memory_space<semaphore_mem>>)
    %dma_start3A_28 = arith.constant 0 : i32
    %dma_start3A_29 = tpu.memref_slice %arg3[%add3A_24, %dma_start3A_28] : memref<320000x128xf32, #tpu.memory_space<hbm>> -> memref<40x128xf32, #tpu.memory_space<hbm>>
    %dma_start3A_30 = arith.constant 0 : i32
    %dma_start3A_31 = tpu.memref_slice %arg3[%add3A_24, %dma_start3A_30] : memref<320000x128xf32, #tpu.memory_space<hbm>> -> memref<40x128xf32, #tpu.memory_space<hbm>>
    tpu.enqueue_dma source(%dma_start3A_31 : memref<40x128xf32, #tpu.memory_space<hbm>>) target(%arg8 : memref<40x128xf32, #tpu.memory_space<vmem>>) target_semaphore(%arg16 : memref<!tpu.dma_semaphore, #tpu.memory_space<semaphore_mem>>)
    %dma_start3A_32 = tpu.memref_slice %arg4[%add3A_24] : memref<320000xi32, #tpu.memory_space<hbm>> -> memref<40xi32, #tpu.memory_space<hbm>>
    %dma_start3A_33 = tpu.memref_slice %arg4[%add3A_24] : memref<320000xi32, #tpu.memory_space<hbm>> -> memref<40xi32, #tpu.memory_space<hbm>>
    tpu.enqueue_dma source(%dma_start3A_33 : memref<40xi32, #tpu.memory_space<hbm>>) target(%arg11 : memref<40xi32, #tpu.memory_space<vmem>>) target_semaphore(%arg16 : memref<!tpu.dma_semaphore, #tpu.memory_space<semaphore_mem>>)
    %dma_start3A_34 = tpu.memref_slice %arg5[%add3A_24] : memref<320000xi32, #tpu.memory_space<hbm>> -> memref<40xi32, #tpu.memory_space<hbm>>
    %dma_start3A_35 = tpu.memref_slice %arg5[%add3A_24] : memref<320000xi32, #tpu.memory_space<hbm>> -> memref<40xi32, #tpu.memory_space<hbm>>
    tpu.enqueue_dma source(%dma_start3A_35 : memref<40xi32, #tpu.memory_space<hbm>>) target(%arg12 : memref<40xi32, #tpu.memory_space<vmem>>) target_semaphore(%arg16 : memref<!tpu.dma_semaphore, #tpu.memory_space<semaphore_mem>>)
    %add3A_36 = arith.constant 40 : i32
    %add3A_37 = arith.addi %mul3A_2, %add3A_36 : i32
    %dma_start3A_38 = arith.constant 0 : i32
    %dma_start3A_39 = tpu.memref_slice %arg2[%add3A_37, %dma_start3A_38] : memref<320000x128xf32, #tpu.memory_space<hbm>> -> memref<40x128xf32, #tpu.memory_space<hbm>>
    %dma_start3A_40 = arith.constant 0 : i32
    %dma_start3A_41 = tpu.memref_slice %arg2[%add3A_37, %dma_start3A_40] : memref<320000x128xf32, #tpu.memory_space<hbm>> -> memref<40x128xf32, #tpu.memory_space<hbm>>
    tpu.enqueue_dma source(%dma_start3A_41 : memref<40x128xf32, #tpu.memory_space<hbm>>) target(%arg9 : memref<40x128xf32, #tpu.memory_space<vmem>>) target_semaphore(%arg17 : memref<!tpu.dma_semaphore, #tpu.memory_space<semaphore_mem>>)
    %dma_start3A_42 = arith.constant 0 : i32
    %dma_start3A_43 = tpu.memref_slice %arg3[%add3A_37, %dma_start3A_42] : memref<320000x128xf32, #tpu.memory_space<hbm>> -> memref<40x128xf32, #tpu.memory_space<hbm>>
    %dma_start3A_44 = arith.constant 0 : i32
    %dma_start3A_45 = tpu.memref_slice %arg3[%add3A_37, %dma_start3A_44] : memref<320000x128xf32, #tpu.memory_space<hbm>> -> memref<40x128xf32, #tpu.memory_space<hbm>>
    tpu.enqueue_dma source(%dma_start3A_45 : memref<40x128xf32, #tpu.memory_space<hbm>>) target(%arg10 : memref<40x128xf32, #tpu.memory_space<vmem>>) target_semaphore(%arg17 : memref<!tpu.dma_semaphore, #tpu.memory_space<semaphore_mem>>)
    %dma_start3A_46 = tpu.memref_slice %arg4[%add3A_37] : memref<320000xi32, #tpu.memory_space<hbm>> -> memref<40xi32, #tpu.memory_space<hbm>>
    %dma_start3A_47 = tpu.memref_slice %arg4[%add3A_37] : memref<320000xi32, #tpu.memory_space<hbm>> -> memref<40xi32, #tpu.memory_space<hbm>>
    tpu.enqueue_dma source(%dma_start3A_47 : memref<40xi32, #tpu.memory_space<hbm>>) target(%arg13 : memref<40xi32, #tpu.memory_space<vmem>>) target_semaphore(%arg17 : memref<!tpu.dma_semaphore, #tpu.memory_space<semaphore_mem>>)
    %dma_start3A_48 = tpu.memref_slice %arg5[%add3A_37] : memref<320000xi32, #tpu.memory_space<hbm>> -> memref<40xi32, #tpu.memory_space<hbm>>
    %dma_start3A_49 = tpu.memref_slice %arg5[%add3A_37] : memref<320000xi32, #tpu.memory_space<hbm>> -> memref<40xi32, #tpu.memory_space<hbm>>
    tpu.enqueue_dma source(%dma_start3A_49 : memref<40xi32, #tpu.memory_space<hbm>>) target(%arg14 : memref<40xi32, #tpu.memory_space<vmem>>) target_semaphore(%arg17 : memref<!tpu.dma_semaphore, #tpu.memory_space<semaphore_mem>>)
    %scan3A_50 = arith.constant 0 : i32
    %scan3A_51 = arith.constant 0 : i32
    %scan3A_52 = arith.constant 248 : i32
    %scan3A_53 = arith.addi %scan3A_51, %scan3A_52 : i32
    %scan3A_54 = arith.constant 1 : i32
    scf.for %scan3A_111 = %scan3A_51 to %scan3A_53 step %scan3A_54  : i32 {
      %rem3A = arith.constant 2 : i32
      %rem3A_112 = arith.remsi %scan3A_111, %rem3A : i32
      %eq3A = arith.constant 0 : i32
      %eq3A_113 = arith.cmpi eq, %rem3A_112, %eq3A : i32
      %convert_element_type3A = arith.extui %eq3A_113 : i1 to i32
      %cond3A = arith.constant 0 : i32
      %cond3A_114 = arith.cmpi ne, %convert_element_type3A, %cond3A : i32
      scf.if %cond3A_114 {
        %mul3A_122 = arith.constant 40 : i32
        %mul3A_123 = arith.muli %scan3A_111, %mul3A_122 : i32
        %add3A_124 = arith.addi %mul3A_2, %mul3A_123 : i32
        %dma_wait3A_125 = arith.constant 0 : i32
        %dma_wait3A_126 = tpu.memref_slice %arg2[%add3A_124, %dma_wait3A_125] : memref<320000x128xf32, #tpu.memory_space<hbm>> -> memref<40x128xf32, #tpu.memory_space<hbm>>
        %dma_wait3A_127 = arith.constant 0 : i32
        %dma_wait3A_128 = tpu.memref_slice %arg2[%add3A_124, %dma_wait3A_127] : memref<320000x128xf32, #tpu.memory_space<hbm>> -> memref<40x128xf32, #tpu.memory_space<hbm>>
        tpu.wait_dma2 semaphore(%arg16 : memref<!tpu.dma_semaphore, #tpu.memory_space<semaphore_mem>>) src(%dma_wait3A_128 : memref<40x128xf32, #tpu.memory_space<hbm>>) dst(%arg7 : memref<40x128xf32, #tpu.memory_space<vmem>>)
        %dma_wait3A_129 = arith.constant 0 : i32
        %dma_wait3A_130 = tpu.memref_slice %arg3[%add3A_124, %dma_wait3A_129] : memref<320000x128xf32, #tpu.memory_space<hbm>> -> memref<40x128xf32, #tpu.memory_space<hbm>>
        %dma_wait3A_131 = arith.constant 0 : i32
        %dma_wait3A_132 = tpu.memref_slice %arg3[%add3A_124, %dma_wait3A_131] : memref<320000x128xf32, #tpu.memory_space<hbm>> -> memref<40x128xf32, #tpu.memory_space<hbm>>
        tpu.wait_dma2 semaphore(%arg16 : memref<!tpu.dma_semaphore, #tpu.memory_space<semaphore_mem>>) src(%dma_wait3A_132 : memref<40x128xf32, #tpu.memory_space<hbm>>) dst(%arg8 : memref<40x128xf32, #tpu.memory_space<vmem>>)
        %dma_wait3A_133 = tpu.memref_slice %arg4[%add3A_124] : memref<320000xi32, #tpu.memory_space<hbm>> -> memref<40xi32, #tpu.memory_space<hbm>>
        %dma_wait3A_134 = tpu.memref_slice %arg4[%add3A_124] : memref<320000xi32, #tpu.memory_space<hbm>> -> memref<40xi32, #tpu.memory_space<hbm>>
        tpu.wait_dma2 semaphore(%arg16 : memref<!tpu.dma_semaphore, #tpu.memory_space<semaphore_mem>>) src(%dma_wait3A_134 : memref<40xi32, #tpu.memory_space<hbm>>) dst(%arg11 : memref<40xi32, #tpu.memory_space<vmem>>)
        %dma_wait3A_135 = tpu.memref_slice %arg5[%add3A_124] : memref<320000xi32, #tpu.memory_space<hbm>> -> memref<40xi32, #tpu.memory_space<hbm>>
        %dma_wait3A_136 = tpu.memref_slice %arg5[%add3A_124] : memref<320000xi32, #tpu.memory_space<hbm>> -> memref<40xi32, #tpu.memory_space<hbm>>
        tpu.wait_dma2 semaphore(%arg16 : memref<!tpu.dma_semaphore, #tpu.memory_space<semaphore_mem>>) src(%dma_wait3A_136 : memref<40xi32, #tpu.memory_space<hbm>>) dst(%arg12 : memref<40xi32, #tpu.memory_space<vmem>>)
        %dma_start3A_137 = arith.constant 0 : i32
        %dma_start3A_138 = arith.constant 0 : i32
        %dma_start3A_139 = tpu.memref_slice %arg15[%dma_start3A_137, %dma_start3A_138] : memref<10240x128xf32, #tpu.memory_space<vmem_shared>> -> memref<10240x128xf32, #tpu.memory_space<vmem_shared>>
        tpu.enqueue_indirect_dma source(%arg7 : memref<40x128xf32, #tpu.memory_space<vmem>>) target(%dma_start3A_139 : memref<10240x128xf32, #tpu.memory_space<vmem_shared>>) offsets(%arg11 : memref<40xi32, #tpu.memory_space<vmem>>) semaphore(%arg18 : memref<!tpu.dma_semaphore, #tpu.memory_space<semaphore_mem>>) {add = true}
        %dma_start3A_140 = arith.constant 0 : i32
        %dma_start3A_141 = arith.constant 0 : i32
        %dma_start3A_142 = tpu.memref_slice %arg15[%dma_start3A_140, %dma_start3A_141] : memref<10240x128xf32, #tpu.memory_space<vmem_shared>> -> memref<10240x128xf32, #tpu.memory_space<vmem_shared>>
        tpu.enqueue_indirect_dma source(%arg8 : memref<40x128xf32, #tpu.memory_space<vmem>>) target(%dma_start3A_142 : memref<10240x128xf32, #tpu.memory_space<vmem_shared>>) offsets(%arg12 : memref<40xi32, #tpu.memory_space<vmem>>) semaphore(%arg19 : memref<!tpu.dma_semaphore, #tpu.memory_space<semaphore_mem>>) {add = true}
        %dma_wait3A_143 = arith.constant 0 : i32
        %dma_wait3A_144 = arith.constant 0 : i32
        %dma_wait3A_145 = tpu.memref_slice %arg15[%dma_wait3A_143, %dma_wait3A_144] : memref<10240x128xf32, #tpu.memory_space<vmem_shared>> -> memref<10240x128xf32, #tpu.memory_space<vmem_shared>>
        tpu.wait_indirect_dma semaphore(%arg18 : memref<!tpu.dma_semaphore, #tpu.memory_space<semaphore_mem>>) src(%arg7 : memref<40x128xf32, #tpu.memory_space<vmem>>) dst(%dma_wait3A_145 : memref<10240x128xf32, #tpu.memory_space<vmem_shared>>)
        %dma_wait3A_146 = arith.constant 0 : i32
        %dma_wait3A_147 = arith.constant 0 : i32
        %dma_wait3A_148 = tpu.memref_slice %arg15[%dma_wait3A_146, %dma_wait3A_147] : memref<10240x128xf32, #tpu.memory_space<vmem_shared>> -> memref<10240x128xf32, #tpu.memory_space<vmem_shared>>
        tpu.wait_indirect_dma semaphore(%arg19 : memref<!tpu.dma_semaphore, #tpu.memory_space<semaphore_mem>>) src(%arg8 : memref<40x128xf32, #tpu.memory_space<vmem>>) dst(%dma_wait3A_148 : memref<10240x128xf32, #tpu.memory_space<vmem_shared>>)
        %add3A_149 = arith.constant 2 : i32
        %add3A_150 = arith.addi %scan3A_111, %add3A_149 : i32
        %mul3A_151 = arith.constant 40 : i32
        %mul3A_152 = arith.muli %add3A_150, %mul3A_151 : i32
        %add3A_153 = arith.addi %mul3A_2, %mul3A_152 : i32
        %dma_start3A_154 = arith.constant 0 : i32
        %dma_start3A_155 = tpu.memref_slice %arg2[%add3A_153, %dma_start3A_154] : memref<320000x128xf32, #tpu.memory_space<hbm>> -> memref<40x128xf32, #tpu.memory_space<hbm>>
        %dma_start3A_156 = arith.constant 0 : i32
        %dma_start3A_157 = tpu.memref_slice %arg2[%add3A_153, %dma_start3A_156] : memref<320000x128xf32, #tpu.memory_space<hbm>> -> memref<40x128xf32, #tpu.memory_space<hbm>>
        tpu.enqueue_dma source(%dma_start3A_157 : memref<40x128xf32, #tpu.memory_space<hbm>>) target(%arg7 : memref<40x128xf32, #tpu.memory_space<vmem>>) target_semaphore(%arg16 : memref<!tpu.dma_semaphore, #tpu.memory_space<semaphore_mem>>)
        %dma_start3A_158 = arith.constant 0 : i32
        %dma_start3A_159 = tpu.memref_slice %arg3[%add3A_153, %dma_start3A_158] : memref<320000x128xf32, #tpu.memory_space<hbm>> -> memref<40x128xf32, #tpu.memory_space<hbm>>
        %dma_start3A_160 = arith.constant 0 : i32
        %dma_start3A_161 = tpu.memref_slice %arg3[%add3A_153, %dma_start3A_160] : memref<320000x128xf32, #tpu.memory_space<hbm>> -> memref<40x128xf32, #tpu.memory_space<hbm>>
        tpu.enqueue_dma source(%dma_start3A_161 : memref<40x128xf32, #tpu.memory_space<hbm>>) target(%arg8 : memref<40x128xf32, #tpu.memory_space<vmem>>) target_semaphore(%arg16 : memref<!tpu.dma_semaphore, #tpu.memory_space<semaphore_mem>>)
        %dma_start3A_162 = tpu.memref_slice %arg4[%add3A_153] : memref<320000xi32, #tpu.memory_space<hbm>> -> memref<40xi32, #tpu.memory_space<hbm>>
        %dma_start3A_163 = tpu.memref_slice %arg4[%add3A_153] : memref<320000xi32, #tpu.memory_space<hbm>> -> memref<40xi32, #tpu.memory_space<hbm>>
        tpu.enqueue_dma source(%dma_start3A_163 : memref<40xi32, #tpu.memory_space<hbm>>) target(%arg11 : memref<40xi32, #tpu.memory_space<vmem>>) target_semaphore(%arg16 : memref<!tpu.dma_semaphore, #tpu.memory_space<semaphore_mem>>)
        %dma_start3A_164 = tpu.memref_slice %arg5[%add3A_153] : memref<320000xi32, #tpu.memory_space<hbm>> -> memref<40xi32, #tpu.memory_space<hbm>>
        %dma_start3A_165 = tpu.memref_slice %arg5[%add3A_153] : memref<320000xi32, #tpu.memory_space<hbm>> -> memref<40xi32, #tpu.memory_space<hbm>>
        tpu.enqueue_dma source(%dma_start3A_165 : memref<40xi32, #tpu.memory_space<hbm>>) target(%arg12 : memref<40xi32, #tpu.memory_space<vmem>>) target_semaphore(%arg16 : memref<!tpu.dma_semaphore, #tpu.memory_space<semaphore_mem>>)
      } else {
      }
      %rem3A_115 = arith.constant 2 : i32
      %rem3A_116 = arith.remsi %scan3A_111, %rem3A_115 : i32
      %eq3A_117 = arith.constant 1 : i32
      %eq3A_118 = arith.cmpi eq, %rem3A_116, %eq3A_117 : i32
      %convert_element_type3A_119 = arith.extui %eq3A_118 : i1 to i32
      %cond3A_120 = arith.constant 0 : i32
      %cond3A_121 = arith.cmpi ne, %convert_element_type3A_119, %cond3A_120 : i32
      scf.if %cond3A_121 {
        %mul3A_122 = arith.constant 40 : i32
        %mul3A_123 = arith.muli %scan3A_111, %mul3A_122 : i32
        %add3A_124 = arith.addi %mul3A_2, %mul3A_123 : i32
        %dma_wait3A_125 = arith.constant 0 : i32
        %dma_wait3A_126 = tpu.memref_slice %arg2[%add3A_124, %dma_wait3A_125] : memref<320000x128xf32, #tpu.memory_space<hbm>> -> memref<40x128xf32, #tpu.memory_space<hbm>>
        %dma_wait3A_127 = arith.constant 0 : i32
        %dma_wait3A_128 = tpu.memref_slice %arg2[%add3A_124, %dma_wait3A_127] : memref<320000x128xf32, #tpu.memory_space<hbm>> -> memref<40x128xf32, #tpu.memory_space<hbm>>
        tpu.wait_dma2 semaphore(%arg17 : memref<!tpu.dma_semaphore, #tpu.memory_space<semaphore_mem>>) src(%dma_wait3A_128 : memref<40x128xf32, #tpu.memory_space<hbm>>) dst(%arg9 : memref<40x128xf32, #tpu.memory_space<vmem>>)
        %dma_wait3A_129 = arith.constant 0 : i32
        %dma_wait3A_130 = tpu.memref_slice %arg3[%add3A_124, %dma_wait3A_129] : memref<320000x128xf32, #tpu.memory_space<hbm>> -> memref<40x128xf32, #tpu.memory_space<hbm>>
        %dma_wait3A_131 = arith.constant 0 : i32
        %dma_wait3A_132 = tpu.memref_slice %arg3[%add3A_124, %dma_wait3A_131] : memref<320000x128xf32, #tpu.memory_space<hbm>> -> memref<40x128xf32, #tpu.memory_space<hbm>>
        tpu.wait_dma2 semaphore(%arg17 : memref<!tpu.dma_semaphore, #tpu.memory_space<semaphore_mem>>) src(%dma_wait3A_132 : memref<40x128xf32, #tpu.memory_space<hbm>>) dst(%arg10 : memref<40x128xf32, #tpu.memory_space<vmem>>)
        %dma_wait3A_133 = tpu.memref_slice %arg4[%add3A_124] : memref<320000xi32, #tpu.memory_space<hbm>> -> memref<40xi32, #tpu.memory_space<hbm>>
        %dma_wait3A_134 = tpu.memref_slice %arg4[%add3A_124] : memref<320000xi32, #tpu.memory_space<hbm>> -> memref<40xi32, #tpu.memory_space<hbm>>
        tpu.wait_dma2 semaphore(%arg17 : memref<!tpu.dma_semaphore, #tpu.memory_space<semaphore_mem>>) src(%dma_wait3A_134 : memref<40xi32, #tpu.memory_space<hbm>>) dst(%arg13 : memref<40xi32, #tpu.memory_space<vmem>>)
        %dma_wait3A_135 = tpu.memref_slice %arg5[%add3A_124] : memref<320000xi32, #tpu.memory_space<hbm>> -> memref<40xi32, #tpu.memory_space<hbm>>
        %dma_wait3A_136 = tpu.memref_slice %arg5[%add3A_124] : memref<320000xi32, #tpu.memory_space<hbm>> -> memref<40xi32, #tpu.memory_space<hbm>>
        tpu.wait_dma2 semaphore(%arg17 : memref<!tpu.dma_semaphore, #tpu.memory_space<semaphore_mem>>) src(%dma_wait3A_136 : memref<40xi32, #tpu.memory_space<hbm>>) dst(%arg14 : memref<40xi32, #tpu.memory_space<vmem>>)
        %dma_start3A_137 = arith.constant 0 : i32
        %dma_start3A_138 = arith.constant 0 : i32
        %dma_start3A_139 = tpu.memref_slice %arg15[%dma_start3A_137, %dma_start3A_138] : memref<10240x128xf32, #tpu.memory_space<vmem_shared>> -> memref<10240x128xf32, #tpu.memory_space<vmem_shared>>
        tpu.enqueue_indirect_dma source(%arg9 : memref<40x128xf32, #tpu.memory_space<vmem>>) target(%dma_start3A_139 : memref<10240x128xf32, #tpu.memory_space<vmem_shared>>) offsets(%arg13 : memref<40xi32, #tpu.memory_space<vmem>>) semaphore(%arg20 : memref<!tpu.dma_semaphore, #tpu.memory_space<semaphore_mem>>) {add = true}
        %dma_start3A_140 = arith.constant 0 : i32
        %dma_start3A_141 = arith.constant 0 : i32
        %dma_start3A_142 = tpu.memref_slice %arg15[%dma_start3A_140, %dma_start3A_141] : memref<10240x128xf32, #tpu.memory_space<vmem_shared>> -> memref<10240x128xf32, #tpu.memory_space<vmem_shared>>
        tpu.enqueue_indirect_dma source(%arg10 : memref<40x128xf32, #tpu.memory_space<vmem>>) target(%dma_start3A_142 : memref<10240x128xf32, #tpu.memory_space<vmem_shared>>) offsets(%arg14 : memref<40xi32, #tpu.memory_space<vmem>>) semaphore(%arg21 : memref<!tpu.dma_semaphore, #tpu.memory_space<semaphore_mem>>) {add = true}
        %dma_wait3A_143 = arith.constant 0 : i32
        %dma_wait3A_144 = arith.constant 0 : i32
        %dma_wait3A_145 = tpu.memref_slice %arg15[%dma_wait3A_143, %dma_wait3A_144] : memref<10240x128xf32, #tpu.memory_space<vmem_shared>> -> memref<10240x128xf32, #tpu.memory_space<vmem_shared>>
        tpu.wait_indirect_dma semaphore(%arg20 : memref<!tpu.dma_semaphore, #tpu.memory_space<semaphore_mem>>) src(%arg9 : memref<40x128xf32, #tpu.memory_space<vmem>>) dst(%dma_wait3A_145 : memref<10240x128xf32, #tpu.memory_space<vmem_shared>>)
        %dma_wait3A_146 = arith.constant 0 : i32
        %dma_wait3A_147 = arith.constant 0 : i32
        %dma_wait3A_148 = tpu.memref_slice %arg15[%dma_wait3A_146, %dma_wait3A_147] : memref<10240x128xf32, #tpu.memory_space<vmem_shared>> -> memref<10240x128xf32, #tpu.memory_space<vmem_shared>>
        tpu.wait_indirect_dma semaphore(%arg21 : memref<!tpu.dma_semaphore, #tpu.memory_space<semaphore_mem>>) src(%arg10 : memref<40x128xf32, #tpu.memory_space<vmem>>) dst(%dma_wait3A_148 : memref<10240x128xf32, #tpu.memory_space<vmem_shared>>)
        %add3A_149 = arith.constant 2 : i32
        %add3A_150 = arith.addi %scan3A_111, %add3A_149 : i32
        %mul3A_151 = arith.constant 40 : i32
        %mul3A_152 = arith.muli %add3A_150, %mul3A_151 : i32
        %add3A_153 = arith.addi %mul3A_2, %mul3A_152 : i32
        %dma_start3A_154 = arith.constant 0 : i32
        %dma_start3A_155 = tpu.memref_slice %arg2[%add3A_153, %dma_start3A_154] : memref<320000x128xf32, #tpu.memory_space<hbm>> -> memref<40x128xf32, #tpu.memory_space<hbm>>
        %dma_start3A_156 = arith.constant 0 : i32
        %dma_start3A_157 = tpu.memref_slice %arg2[%add3A_153, %dma_start3A_156] : memref<320000x128xf32, #tpu.memory_space<hbm>> -> memref<40x128xf32, #tpu.memory_space<hbm>>
        tpu.enqueue_dma source(%dma_start3A_157 : memref<40x128xf32, #tpu.memory_space<hbm>>) target(%arg9 : memref<40x128xf32, #tpu.memory_space<vmem>>) target_semaphore(%arg17 : memref<!tpu.dma_semaphore, #tpu.memory_space<semaphore_mem>>)
        %dma_start3A_158 = arith.constant 0 : i32
        %dma_start3A_159 = tpu.memref_slice %arg3[%add3A_153, %dma_start3A_158] : memref<320000x128xf32, #tpu.memory_space<hbm>> -> memref<40x128xf32, #tpu.memory_space<hbm>>
        %dma_start3A_160 = arith.constant 0 : i32
        %dma_start3A_161 = tpu.memref_slice %arg3[%add3A_153, %dma_start3A_160] : memref<320000x128xf32, #tpu.memory_space<hbm>> -> memref<40x128xf32, #tpu.memory_space<hbm>>
        tpu.enqueue_dma source(%dma_start3A_161 : memref<40x128xf32, #tpu.memory_space<hbm>>) target(%arg10 : memref<40x128xf32, #tpu.memory_space<vmem>>) target_semaphore(%arg17 : memref<!tpu.dma_semaphore, #tpu.memory_space<semaphore_mem>>)
        %dma_start3A_162 = tpu.memref_slice %arg4[%add3A_153] : memref<320000xi32, #tpu.memory_space<hbm>> -> memref<40xi32, #tpu.memory_space<hbm>>
        %dma_start3A_163 = tpu.memref_slice %arg4[%add3A_153] : memref<320000xi32, #tpu.memory_space<hbm>> -> memref<40xi32, #tpu.memory_space<hbm>>
        tpu.enqueue_dma source(%dma_start3A_163 : memref<40xi32, #tpu.memory_space<hbm>>) target(%arg13 : memref<40xi32, #tpu.memory_space<vmem>>) target_semaphore(%arg17 : memref<!tpu.dma_semaphore, #tpu.memory_space<semaphore_mem>>)
        %dma_start3A_164 = tpu.memref_slice %arg5[%add3A_153] : memref<320000xi32, #tpu.memory_space<hbm>> -> memref<40xi32, #tpu.memory_space<hbm>>
        %dma_start3A_165 = tpu.memref_slice %arg5[%add3A_153] : memref<320000xi32, #tpu.memory_space<hbm>> -> memref<40xi32, #tpu.memory_space<hbm>>
        tpu.enqueue_dma source(%dma_start3A_165 : memref<40xi32, #tpu.memory_space<hbm>>) target(%arg14 : memref<40xi32, #tpu.memory_space<vmem>>) target_semaphore(%arg17 : memref<!tpu.dma_semaphore, #tpu.memory_space<semaphore_mem>>)
      } else {
      }
    }
    %scan3A_55 = arith.constant 248 : i32
    %add3A_56 = arith.constant 9920 : i32
    %add3A_57 = arith.addi %mul3A_2, %add3A_56 : i32
    %dma_wait3A = arith.constant 0 : i32
    %dma_wait3A_58 = tpu.memref_slice %arg2[%add3A_57, %dma_wait3A] : memref<320000x128xf32, #tpu.memory_space<hbm>> -> memref<40x128xf32, #tpu.memory_space<hbm>>
    %dma_wait3A_59 = arith.constant 0 : i32
    %dma_wait3A_60 = tpu.memref_slice %arg2[%add3A_57, %dma_wait3A_59] : memref<320000x128xf32, #tpu.memory_space<hbm>> -> memref<40x128xf32, #tpu.memory_space<hbm>>
    tpu.wait_dma2 semaphore(%arg16 : memref<!tpu.dma_semaphore, #tpu.memory_space<semaphore_mem>>) src(%dma_wait3A_60 : memref<40x128xf32, #tpu.memory_space<hbm>>) dst(%arg7 : memref<40x128xf32, #tpu.memory_space<vmem>>)
    %dma_wait3A_61 = arith.constant 0 : i32
    %dma_wait3A_62 = tpu.memref_slice %arg3[%add3A_57, %dma_wait3A_61] : memref<320000x128xf32, #tpu.memory_space<hbm>> -> memref<40x128xf32, #tpu.memory_space<hbm>>
    %dma_wait3A_63 = arith.constant 0 : i32
    %dma_wait3A_64 = tpu.memref_slice %arg3[%add3A_57, %dma_wait3A_63] : memref<320000x128xf32, #tpu.memory_space<hbm>> -> memref<40x128xf32, #tpu.memory_space<hbm>>
    tpu.wait_dma2 semaphore(%arg16 : memref<!tpu.dma_semaphore, #tpu.memory_space<semaphore_mem>>) src(%dma_wait3A_64 : memref<40x128xf32, #tpu.memory_space<hbm>>) dst(%arg8 : memref<40x128xf32, #tpu.memory_space<vmem>>)
    %dma_wait3A_65 = tpu.memref_slice %arg4[%add3A_57] : memref<320000xi32, #tpu.memory_space<hbm>> -> memref<40xi32, #tpu.memory_space<hbm>>
    %dma_wait3A_66 = tpu.memref_slice %arg4[%add3A_57] : memref<320000xi32, #tpu.memory_space<hbm>> -> memref<40xi32, #tpu.memory_space<hbm>>
    tpu.wait_dma2 semaphore(%arg16 : memref<!tpu.dma_semaphore, #tpu.memory_space<semaphore_mem>>) src(%dma_wait3A_66 : memref<40xi32, #tpu.memory_space<hbm>>) dst(%arg11 : memref<40xi32, #tpu.memory_space<vmem>>)
    %dma_wait3A_67 = tpu.memref_slice %arg5[%add3A_57] : memref<320000xi32, #tpu.memory_space<hbm>> -> memref<40xi32, #tpu.memory_space<hbm>>
    %dma_wait3A_68 = tpu.memref_slice %arg5[%add3A_57] : memref<320000xi32, #tpu.memory_space<hbm>> -> memref<40xi32, #tpu.memory_space<hbm>>
    tpu.wait_dma2 semaphore(%arg16 : memref<!tpu.dma_semaphore, #tpu.memory_space<semaphore_mem>>) src(%dma_wait3A_68 : memref<40xi32, #tpu.memory_space<hbm>>) dst(%arg12 : memref<40xi32, #tpu.memory_space<vmem>>)
    %dma_start3A_69 = arith.constant 0 : i32
    %dma_start3A_70 = arith.constant 0 : i32
    %dma_start3A_71 = tpu.memref_slice %arg15[%dma_start3A_69, %dma_start3A_70] : memref<10240x128xf32, #tpu.memory_space<vmem_shared>> -> memref<10240x128xf32, #tpu.memory_space<vmem_shared>>
    tpu.enqueue_indirect_dma source(%arg7 : memref<40x128xf32, #tpu.memory_space<vmem>>) target(%dma_start3A_71 : memref<10240x128xf32, #tpu.memory_space<vmem_shared>>) offsets(%arg11 : memref<40xi32, #tpu.memory_space<vmem>>) semaphore(%arg18 : memref<!tpu.dma_semaphore, #tpu.memory_space<semaphore_mem>>) {add = true}
    %dma_start3A_72 = arith.constant 0 : i32
    %dma_start3A_73 = arith.constant 0 : i32
    %dma_start3A_74 = tpu.memref_slice %arg15[%dma_start3A_72, %dma_start3A_73] : memref<10240x128xf32, #tpu.memory_space<vmem_shared>> -> memref<10240x128xf32, #tpu.memory_space<vmem_shared>>
    tpu.enqueue_indirect_dma source(%arg8 : memref<40x128xf32, #tpu.memory_space<vmem>>) target(%dma_start3A_74 : memref<10240x128xf32, #tpu.memory_space<vmem_shared>>) offsets(%arg12 : memref<40xi32, #tpu.memory_space<vmem>>) semaphore(%arg19 : memref<!tpu.dma_semaphore, #tpu.memory_space<semaphore_mem>>) {add = true}
    %dma_wait3A_75 = arith.constant 0 : i32
    %dma_wait3A_76 = arith.constant 0 : i32
    %dma_wait3A_77 = tpu.memref_slice %arg15[%dma_wait3A_75, %dma_wait3A_76] : memref<10240x128xf32, #tpu.memory_space<vmem_shared>> -> memref<10240x128xf32, #tpu.memory_space<vmem_shared>>
    tpu.wait_indirect_dma semaphore(%arg18 : memref<!tpu.dma_semaphore, #tpu.memory_space<semaphore_mem>>) src(%arg7 : memref<40x128xf32, #tpu.memory_space<vmem>>) dst(%dma_wait3A_77 : memref<10240x128xf32, #tpu.memory_space<vmem_shared>>)
    %dma_wait3A_78 = arith.constant 0 : i32
    %dma_wait3A_79 = arith.constant 0 : i32
    %dma_wait3A_80 = tpu.memref_slice %arg15[%dma_wait3A_78, %dma_wait3A_79] : memref<10240x128xf32, #tpu.memory_space<vmem_shared>> -> memref<10240x128xf32, #tpu.memory_space<vmem_shared>>
    tpu.wait_indirect_dma semaphore(%arg19 : memref<!tpu.dma_semaphore, #tpu.memory_space<semaphore_mem>>) src(%arg8 : memref<40x128xf32, #tpu.memory_space<vmem>>) dst(%dma_wait3A_80 : memref<10240x128xf32, #tpu.memory_space<vmem_shared>>)
    %add3A_81 = arith.constant 9960 : i32
    %add3A_82 = arith.addi %mul3A_2, %add3A_81 : i32
    %dma_wait3A_83 = arith.constant 0 : i32
    %dma_wait3A_84 = tpu.memref_slice %arg2[%add3A_82, %dma_wait3A_83] : memref<320000x128xf32, #tpu.memory_space<hbm>> -> memref<40x128xf32, #tpu.memory_space<hbm>>
    %dma_wait3A_85 = arith.constant 0 : i32
    %dma_wait3A_86 = tpu.memref_slice %arg2[%add3A_82, %dma_wait3A_85] : memref<320000x128xf32, #tpu.memory_space<hbm>> -> memref<40x128xf32, #tpu.memory_space<hbm>>
    tpu.wait_dma2 semaphore(%arg17 : memref<!tpu.dma_semaphore, #tpu.memory_space<semaphore_mem>>) src(%dma_wait3A_86 : memref<40x128xf32, #tpu.memory_space<hbm>>) dst(%arg9 : memref<40x128xf32, #tpu.memory_space<vmem>>)
    %dma_wait3A_87 = arith.constant 0 : i32
    %dma_wait3A_88 = tpu.memref_slice %arg3[%add3A_82, %dma_wait3A_87] : memref<320000x128xf32, #tpu.memory_space<hbm>> -> memref<40x128xf32, #tpu.memory_space<hbm>>
    %dma_wait3A_89 = arith.constant 0 : i32
    %dma_wait3A_90 = tpu.memref_slice %arg3[%add3A_82, %dma_wait3A_89] : memref<320000x128xf32, #tpu.memory_space<hbm>> -> memref<40x128xf32, #tpu.memory_space<hbm>>
    tpu.wait_dma2 semaphore(%arg17 : memref<!tpu.dma_semaphore, #tpu.memory_space<semaphore_mem>>) src(%dma_wait3A_90 : memref<40x128xf32, #tpu.memory_space<hbm>>) dst(%arg10 : memref<40x128xf32, #tpu.memory_space<vmem>>)
    %dma_wait3A_91 = tpu.memref_slice %arg4[%add3A_82] : memref<320000xi32, #tpu.memory_space<hbm>> -> memref<40xi32, #tpu.memory_space<hbm>>
    %dma_wait3A_92 = tpu.memref_slice %arg4[%add3A_82] : memref<320000xi32, #tpu.memory_space<hbm>> -> memref<40xi32, #tpu.memory_space<hbm>>
    tpu.wait_dma2 semaphore(%arg17 : memref<!tpu.dma_semaphore, #tpu.memory_space<semaphore_mem>>) src(%dma_wait3A_92 : memref<40xi32, #tpu.memory_space<hbm>>) dst(%arg13 : memref<40xi32, #tpu.memory_space<vmem>>)
    %dma_wait3A_93 = tpu.memref_slice %arg5[%add3A_82] : memref<320000xi32, #tpu.memory_space<hbm>> -> memref<40xi32, #tpu.memory_space<hbm>>
    %dma_wait3A_94 = tpu.memref_slice %arg5[%add3A_82] : memref<320000xi32, #tpu.memory_space<hbm>> -> memref<40xi32, #tpu.memory_space<hbm>>
    tpu.wait_dma2 semaphore(%arg17 : memref<!tpu.dma_semaphore, #tpu.memory_space<semaphore_mem>>) src(%dma_wait3A_94 : memref<40xi32, #tpu.memory_space<hbm>>) dst(%arg14 : memref<40xi32, #tpu.memory_space<vmem>>)
    %dma_start3A_95 = arith.constant 0 : i32
    %dma_start3A_96 = arith.constant 0 : i32
    %dma_start3A_97 = tpu.memref_slice %arg15[%dma_start3A_95, %dma_start3A_96] : memref<10240x128xf32, #tpu.memory_space<vmem_shared>> -> memref<10240x128xf32, #tpu.memory_space<vmem_shared>>
    tpu.enqueue_indirect_dma source(%arg9 : memref<40x128xf32, #tpu.memory_space<vmem>>) target(%dma_start3A_97 : memref<10240x128xf32, #tpu.memory_space<vmem_shared>>) offsets(%arg13 : memref<40xi32, #tpu.memory_space<vmem>>) semaphore(%arg20 : memref<!tpu.dma_semaphore, #tpu.memory_space<semaphore_mem>>) {add = true}
    %dma_start3A_98 = arith.constant 0 : i32
    %dma_start3A_99 = arith.constant 0 : i32
    %dma_start3A_100 = tpu.memref_slice %arg15[%dma_start3A_98, %dma_start3A_99] : memref<10240x128xf32, #tpu.memory_space<vmem_shared>> -> memref<10240x128xf32, #tpu.memory_space<vmem_shared>>
    tpu.enqueue_indirect_dma source(%arg10 : memref<40x128xf32, #tpu.memory_space<vmem>>) target(%dma_start3A_100 : memref<10240x128xf32, #tpu.memory_space<vmem_shared>>) offsets(%arg14 : memref<40xi32, #tpu.memory_space<vmem>>) semaphore(%arg21 : memref<!tpu.dma_semaphore, #tpu.memory_space<semaphore_mem>>) {add = true}
    %dma_wait3A_101 = arith.constant 0 : i32
    %dma_wait3A_102 = arith.constant 0 : i32
    %dma_wait3A_103 = tpu.memref_slice %arg15[%dma_wait3A_101, %dma_wait3A_102] : memref<10240x128xf32, #tpu.memory_space<vmem_shared>> -> memref<10240x128xf32, #tpu.memory_space<vmem_shared>>
    tpu.wait_indirect_dma semaphore(%arg20 : memref<!tpu.dma_semaphore, #tpu.memory_space<semaphore_mem>>) src(%arg9 : memref<40x128xf32, #tpu.memory_space<vmem>>) dst(%dma_wait3A_103 : memref<10240x128xf32, #tpu.memory_space<vmem_shared>>)
    %dma_wait3A_104 = arith.constant 0 : i32
    %dma_wait3A_105 = arith.constant 0 : i32
    %dma_wait3A_106 = tpu.memref_slice %arg15[%dma_wait3A_104, %dma_wait3A_105] : memref<10240x128xf32, #tpu.memory_space<vmem_shared>> -> memref<10240x128xf32, #tpu.memory_space<vmem_shared>>
    tpu.wait_indirect_dma semaphore(%arg21 : memref<!tpu.dma_semaphore, #tpu.memory_space<semaphore_mem>>) src(%arg10 : memref<40x128xf32, #tpu.memory_space<vmem>>) dst(%dma_wait3A_106 : memref<10240x128xf32, #tpu.memory_space<vmem_shared>>)
    %barrier3A_107 = arith.constant 0 : index
    tpu.barrier barrier_id(%barrier3A_107)
    %mul3A_108 = arith.constant 10240 : i32
    %mul3A_109 = arith.muli %arg0, %mul3A_108 : i32
    %add3A_110 = arith.addi %mul3A_109, %mul3A_4 : i32
    "tpu.region"() ({
      %run_scoped3A = tpu.sem_alloc : memref<!tpu.dma_semaphore, #tpu.memory_space<semaphore_mem>>
      %dma_start3A_111 = arith.constant 0 : i32
      %dma_start3A_112 = tpu.memref_slice %arg6[%add3A_110, %dma_start3A_111] : memref<20480x128xf32, #tpu.memory_space<hbm>> -> memref<640x128xf32, #tpu.memory_space<hbm>>
      %dma_start3A_113 = arith.constant 0 : i32
      %dma_start3A_114 = tpu.memref_slice %arg15[%mul3A_4, %dma_start3A_113] : memref<10240x128xf32, #tpu.memory_space<vmem_shared>> -> memref<640x128xf32, #tpu.memory_space<vmem_shared>>
      tpu.enqueue_dma source(%dma_start3A_114 : memref<640x128xf32, #tpu.memory_space<vmem_shared>>) target(%dma_start3A_112 : memref<640x128xf32, #tpu.memory_space<hbm>>) target_semaphore(%run_scoped3A : memref<!tpu.dma_semaphore, #tpu.memory_space<semaphore_mem>>)
      %dma_wait3A_115 = arith.constant 0 : i32
      %dma_wait3A_116 = tpu.memref_slice %arg6[%add3A_110, %dma_wait3A_115] : memref<20480x128xf32, #tpu.memory_space<hbm>> -> memref<640x128xf32, #tpu.memory_space<hbm>>
      %dma_wait3A_117 = arith.constant 0 : i32
      %dma_wait3A_118 = tpu.memref_slice %arg15[%mul3A_4, %dma_wait3A_117] : memref<10240x128xf32, #tpu.memory_space<vmem_shared>> -> memref<640x128xf32, #tpu.memory_space<vmem_shared>>
      tpu.wait_dma2 semaphore(%run_scoped3A : memref<!tpu.dma_semaphore, #tpu.memory_space<semaphore_mem>>) src(%dma_wait3A_118 : memref<640x128xf32, #tpu.memory_space<vmem_shared>>) dst(%dma_wait3A_116 : memref<640x128xf32, #tpu.memory_space<hbm>>)
      tpu.yield
    }) : () -> ()
    return
  }
}

module attributes {stable_mosaic.version = 14 : i64} {
  func.func @_tail_body(%arg0: i32, %arg1: memref<2000x128xf32, #tpu.memory_space<vmem>>, %arg2: memref<2000x128xi32, #tpu.memory_space<vmem>>, %arg3: memref<2000x128xi32, #tpu.memory_space<vmem>>, %arg4: memref<128x128xf32, #tpu.memory_space<vmem>>, %arg5: memref<1x128xf32, #tpu.memory_space<vmem>>, %arg6: memref<128x128xbf16, #tpu.memory_space<vmem>>, %arg7: memref<1x128xf32, #tpu.memory_space<vmem>>, %arg8: memref<128x128xbf16, #tpu.memory_space<vmem>>, %arg9: memref<1x128xf32, #tpu.memory_space<vmem>>, %arg10: memref<2000x128xf32, #tpu.memory_space<vmem>>, %arg11: memref<2000x128xf32, #tpu.memory_space<vmem>>) attributes {dimension_semantics = [#tpu.dimension_semantics<arbitrary>], iteration_bounds = array<i64: 160>, scalar_prefetch = 0 : i64, scratch_operands = 0 : i64, tpu.core_type = #tpu.core_type<tc>, window_params = [{transform_indices = @transform_0, window_bounds = array<i64: 2000, 128>}, {transform_indices = @transform_1, window_bounds = array<i64: 2000, 128>}, {transform_indices = @transform_2, window_bounds = array<i64: 2000, 128>}, {pipeline_mode = #tpu.pipeline_mode<synchronous>, transform_indices = @transform_3, window_bounds = array<i64: 128, 128>}, {pipeline_mode = #tpu.pipeline_mode<synchronous>, transform_indices = @transform_4, window_bounds = array<i64: 1, 128>}, {pipeline_mode = #tpu.pipeline_mode<synchronous>, transform_indices = @transform_5, window_bounds = array<i64: 128, 128>}, {pipeline_mode = #tpu.pipeline_mode<synchronous>, transform_indices = @transform_6, window_bounds = array<i64: 1, 128>}, {pipeline_mode = #tpu.pipeline_mode<synchronous>, transform_indices = @transform_7, window_bounds = array<i64: 128, 128>}, {pipeline_mode = #tpu.pipeline_mode<synchronous>, transform_indices = @transform_8, window_bounds = array<i64: 1, 128>}, {transform_indices = @transform_9, window_bounds = array<i64: 2000, 128>}, {transform_indices = @transform_10, window_bounds = array<i64: 2000, 128>}]} {
    %get3A = arith.constant 0 : index
    %get3A_0 = arith.constant 0 : index
    %get3A_1 = vector.load %arg1[%get3A, %get3A_0] : memref<2000x128xf32, #tpu.memory_space<vmem>>, vector<2000x128xf32>
    %get3A_2 = arith.constant 0 : index
    %get3A_3 = arith.constant 0 : index
    %get3A_4 = vector.load %arg4[%get3A_2, %get3A_3] : memref<128x128xf32, #tpu.memory_space<vmem>>, vector<128x128xf32>
    %dot_general3A = arith.constant dense<0.000000e+00> : vector<2000x128xf32>
    %dot_general3A_5 = tpu.matmul %get3A_1, %get3A_4, %dot_general3A {dimension_numbers = #tpu.dot_dimension_numbers<[1], [0], [0], [1], [0, 0, 1, 1], [], []>, transpose_lhs_hint = false} : vector<2000x128xf32>, vector<128x128xf32>, vector<2000x128xf32> -> vector<2000x128xf32>
    %get3A_6 = arith.constant 0 : index
    %get3A_7 = arith.constant 0 : index
    %get3A_8 = vector.load %arg5[%get3A_6, %get3A_7] : memref<1x128xf32, #tpu.memory_space<vmem>>, vector<1x128xf32>
    %add3A = vector.broadcast %get3A_8 : vector<1x128xf32> to vector<2000x128xf32>
    %add3A_9 = arith.addf %dot_general3A_5, %add3A : vector<2000x128xf32>
    %get3A_10 = arith.constant 0 : index
    %get3A_11 = arith.constant 0 : index
    %get3A_12 = vector.load %arg2[%get3A_10, %get3A_11] : memref<2000x128xi32, #tpu.memory_space<vmem>>, vector<2000x128xi32>
    %shift_left3A = arith.constant 16 : i32
    %shift_left3A_13 = vector.broadcast %shift_left3A : i32 to vector<2000x128xi32>
    %shift_left3A_14 = arith.shli %get3A_12, %shift_left3A_13 : vector<2000x128xi32>
    %bitcast_convert_type3A = tpu.bitcast %shift_left3A_14 : vector<2000x128xi32> -> vector<2000x128xf32>
    %and3A = arith.constant -65536 : i32
    %and3A_15 = vector.broadcast %and3A : i32 to vector<2000x128xi32>
    %and3A_16 = arith.andi %get3A_12, %and3A_15 : vector<2000x128xi32>
    %bitcast_convert_type3A_17 = tpu.bitcast %and3A_16 : vector<2000x128xi32> -> vector<2000x128xf32>
    %get3A_18 = arith.constant 0 : index
    %get3A_19 = arith.constant 0 : index
    %get3A_20 = vector.load %arg3[%get3A_18, %get3A_19] : memref<2000x128xi32, #tpu.memory_space<vmem>>, vector<2000x128xi32>
    %shift_left3A_21 = arith.constant 16 : i32
    %shift_left3A_22 = vector.broadcast %shift_left3A_21 : i32 to vector<2000x128xi32>
    %shift_left3A_23 = arith.shli %get3A_20, %shift_left3A_22 : vector<2000x128xi32>
    %bitcast_convert_type3A_24 = tpu.bitcast %shift_left3A_23 : vector<2000x128xi32> -> vector<2000x128xf32>
    %and3A_25 = arith.constant -65536 : i32
    %and3A_26 = vector.broadcast %and3A_25 : i32 to vector<2000x128xi32>
    %and3A_27 = arith.andi %get3A_20, %and3A_26 : vector<2000x128xi32>
    %bitcast_convert_type3A_28 = tpu.bitcast %and3A_27 : vector<2000x128xi32> -> vector<2000x128xf32>
    %add3A_29 = arith.addf %bitcast_convert_type3A, %bitcast_convert_type3A_28 : vector<2000x128xf32>
    %add3A_30 = arith.addf %add3A_29, %add3A_9 : vector<2000x128xf32>
    %max3A = arith.constant 0.000000e+00 : f32
    %max3A_31 = vector.broadcast %max3A : f32 to vector<2000x128xf32>
    %max3A_32 = arith.maximumf %add3A_30, %max3A_31 : vector<2000x128xf32>
    %convert_element_type3A = arith.truncf %max3A_32 : vector<2000x128xf32> to vector<2000x128xbf16>
    %get3A_33 = arith.constant 0 : index
    %get3A_34 = arith.constant 0 : index
    %get3A_35 = vector.load %arg6[%get3A_33, %get3A_34] : memref<128x128xbf16, #tpu.memory_space<vmem>>, vector<128x128xbf16>
    %dot_general3A_36 = arith.constant dense<0.000000e+00> : vector<2000x128xf32>
    %dot_general3A_37 = tpu.matmul %convert_element_type3A, %get3A_35, %dot_general3A_36 {dimension_numbers = #tpu.dot_dimension_numbers<[1], [0], [0], [1], [0, 0, 1, 1], [], []>, transpose_lhs_hint = false} : vector<2000x128xbf16>, vector<128x128xbf16>, vector<2000x128xf32> -> vector<2000x128xf32>
    %get3A_38 = arith.constant 0 : index
    %get3A_39 = arith.constant 0 : index
    %get3A_40 = vector.load %arg7[%get3A_38, %get3A_39] : memref<1x128xf32, #tpu.memory_space<vmem>>, vector<1x128xf32>
    %add3A_41 = vector.broadcast %get3A_40 : vector<1x128xf32> to vector<2000x128xf32>
    %add3A_42 = arith.addf %dot_general3A_37, %add3A_41 : vector<2000x128xf32>
    %max3A_43 = arith.constant 0.000000e+00 : f32
    %max3A_44 = vector.broadcast %max3A_43 : f32 to vector<2000x128xf32>
    %max3A_45 = arith.maximumf %add3A_42, %max3A_44 : vector<2000x128xf32>
    %convert_element_type3A_46 = arith.truncf %max3A_45 : vector<2000x128xf32> to vector<2000x128xbf16>
    %get3A_47 = arith.constant 0 : index
    %get3A_48 = arith.constant 0 : index
    %get3A_49 = vector.load %arg8[%get3A_47, %get3A_48] : memref<128x128xbf16, #tpu.memory_space<vmem>>, vector<128x128xbf16>
    %dot_general3A_50 = arith.constant dense<0.000000e+00> : vector<2000x128xf32>
    %dot_general3A_51 = tpu.matmul %convert_element_type3A_46, %get3A_49, %dot_general3A_50 {dimension_numbers = #tpu.dot_dimension_numbers<[1], [0], [0], [1], [0, 0, 1, 1], [], []>, transpose_lhs_hint = false} : vector<2000x128xbf16>, vector<128x128xbf16>, vector<2000x128xf32> -> vector<2000x128xf32>
    %get3A_52 = arith.constant 0 : index
    %get3A_53 = arith.constant 0 : index
    %get3A_54 = vector.load %arg9[%get3A_52, %get3A_53] : memref<1x128xf32, #tpu.memory_space<vmem>>, vector<1x128xf32>
    %add3A_55 = vector.broadcast %get3A_54 : vector<1x128xf32> to vector<2000x128xf32>
    %add3A_56 = arith.addf %dot_general3A_51, %add3A_55 : vector<2000x128xf32>
    %swap3A = arith.constant 0 : index
    %swap3A_57 = arith.constant 0 : index
    %swap3A_58 = vector.load %arg10[%swap3A, %swap3A_57] : memref<2000x128xf32, #tpu.memory_space<vmem>>, vector<2000x128xf32>
    tpu.vector_store %arg10[%swap3A, %swap3A_57], %add3A_56 {strides = array<i32>} : memref<2000x128xf32, #tpu.memory_space<vmem>>, vector<2000x128xf32>,
    %add3A_59 = arith.addf %bitcast_convert_type3A_24, %bitcast_convert_type3A_17 : vector<2000x128xf32>
    %add3A_60 = arith.addf %add3A_59, %add3A_9 : vector<2000x128xf32>
    %max3A_61 = arith.constant 0.000000e+00 : f32
    %max3A_62 = vector.broadcast %max3A_61 : f32 to vector<2000x128xf32>
    %max3A_63 = arith.maximumf %add3A_60, %max3A_62 : vector<2000x128xf32>
    %convert_element_type3A_64 = arith.truncf %max3A_63 : vector<2000x128xf32> to vector<2000x128xbf16>
    %get3A_65 = arith.constant 0 : index
    %get3A_66 = arith.constant 0 : index
    %get3A_67 = vector.load %arg6[%get3A_65, %get3A_66] : memref<128x128xbf16, #tpu.memory_space<vmem>>, vector<128x128xbf16>
    %dot_general3A_68 = arith.constant dense<0.000000e+00> : vector<2000x128xf32>
    %dot_general3A_69 = tpu.matmul %convert_element_type3A_64, %get3A_67, %dot_general3A_68 {dimension_numbers = #tpu.dot_dimension_numbers<[1], [0], [0], [1], [0, 0, 1, 1], [], []>, transpose_lhs_hint = false} : vector<2000x128xbf16>, vector<128x128xbf16>, vector<2000x128xf32> -> vector<2000x128xf32>
    %get3A_70 = arith.constant 0 : index
    %get3A_71 = arith.constant 0 : index
    %get3A_72 = vector.load %arg7[%get3A_70, %get3A_71] : memref<1x128xf32, #tpu.memory_space<vmem>>, vector<1x128xf32>
    %add3A_73 = vector.broadcast %get3A_72 : vector<1x128xf32> to vector<2000x128xf32>
    %add3A_74 = arith.addf %dot_general3A_69, %add3A_73 : vector<2000x128xf32>
    %max3A_75 = arith.constant 0.000000e+00 : f32
    %max3A_76 = vector.broadcast %max3A_75 : f32 to vector<2000x128xf32>
    %max3A_77 = arith.maximumf %add3A_74, %max3A_76 : vector<2000x128xf32>
    %convert_element_type3A_78 = arith.truncf %max3A_77 : vector<2000x128xf32> to vector<2000x128xbf16>
    %get3A_79 = arith.constant 0 : index
    %get3A_80 = arith.constant 0 : index
    %get3A_81 = vector.load %arg8[%get3A_79, %get3A_80] : memref<128x128xbf16, #tpu.memory_space<vmem>>, vector<128x128xbf16>
    %dot_general3A_82 = arith.constant dense<0.000000e+00> : vector<2000x128xf32>
    %dot_general3A_83 = tpu.matmul %convert_element_type3A_78, %get3A_81, %dot_general3A_82 {dimension_numbers = #tpu.dot_dimension_numbers<[1], [0], [0], [1], [0, 0, 1, 1], [], []>, transpose_lhs_hint = false} : vector<2000x128xbf16>, vector<128x128xbf16>, vector<2000x128xf32> -> vector<2000x128xf32>
    %get3A_84 = arith.constant 0 : index
    %get3A_85 = arith.constant 0 : index
    %get3A_86 = vector.load %arg9[%get3A_84, %get3A_85] : memref<1x128xf32, #tpu.memory_space<vmem>>, vector<1x128xf32>
    %add3A_87 = vector.broadcast %get3A_86 : vector<1x128xf32> to vector<2000x128xf32>
    %add3A_88 = arith.addf %dot_general3A_83, %add3A_87 : vector<2000x128xf32>
    %swap3A_89 = arith.constant 0 : index
    %swap3A_90 = arith.constant 0 : index
    %swap3A_91 = vector.load %arg11[%swap3A_89, %swap3A_90] : memref<2000x128xf32, #tpu.memory_space<vmem>>, vector<2000x128xf32>
    tpu.vector_store %arg11[%swap3A_89, %swap3A_90], %add3A_88 {strides = array<i32>} : memref<2000x128xf32, #tpu.memory_space<vmem>>, vector<2000x128xf32>,
    return
  }
  func.func @transform_0(%arg0: i32) -> (i32, i32) {
    %c0_i32 = arith.constant 0 : i32
    %c0_i32_0 = arith.constant 0 : i32
    return %arg0, %c0_i32 : i32, i32
  }
  func.func @transform_1(%arg0: i32) -> (i32, i32) {
    %c0_i32 = arith.constant 0 : i32
    %c0_i32_0 = arith.constant 0 : i32
    return %arg0, %c0_i32 : i32, i32
  }
  func.func @transform_2(%arg0: i32) -> (i32, i32) {
    %c0_i32 = arith.constant 0 : i32
    %c0_i32_0 = arith.constant 0 : i32
    return %arg0, %c0_i32 : i32, i32
  }
  func.func @transform_3(%arg0: i32) -> (i32, i32) {
    %c0_i32 = arith.constant 0 : i32
    %c0_i32_0 = arith.constant 0 : i32
    %c0_i32_1 = arith.constant 0 : i32
    return %c0_i32, %c0_i32_0 : i32, i32
  }
  func.func @transform_4(%arg0: i32) -> (i32, i32) {
    %c0_i32 = arith.constant 0 : i32
    %c0_i32_0 = arith.constant 0 : i32
    %c0_i32_1 = arith.constant 0 : i32
    return %c0_i32, %c0_i32_0 : i32, i32
  }
  func.func @transform_5(%arg0: i32) -> (i32, i32) {
    %c0_i32 = arith.constant 0 : i32
    %c0_i32_0 = arith.constant 0 : i32
    %c0_i32_1 = arith.constant 0 : i32
    return %c0_i32, %c0_i32_0 : i32, i32
  }
  func.func @transform_6(%arg0: i32) -> (i32, i32) {
    %c0_i32 = arith.constant 0 : i32
    %c0_i32_0 = arith.constant 0 : i32
    %c0_i32_1 = arith.constant 0 : i32
    return %c0_i32, %c0_i32_0 : i32, i32
  }
  func.func @transform_7(%arg0: i32) -> (i32, i32) {
    %c0_i32 = arith.constant 0 : i32
    %c0_i32_0 = arith.constant 0 : i32
    %c0_i32_1 = arith.constant 0 : i32
    return %c0_i32, %c0_i32_0 : i32, i32
  }
  func.func @transform_8(%arg0: i32) -> (i32, i32) {
    %c0_i32 = arith.constant 0 : i32
    %c0_i32_0 = arith.constant 0 : i32
    %c0_i32_1 = arith.constant 0 : i32
    return %c0_i32, %c0_i32_0 : i32, i32
  }
  func.func @transform_9(%arg0: i32) -> (i32, i32) {
    %c0_i32 = arith.constant 0 : i32
    %c0_i32_0 = arith.constant 0 : i32
    return %arg0, %c0_i32 : i32, i32
  }
  func.func @transform_10(%arg0: i32) -> (i32, i32) {
    %c0_i32 = arith.constant 0 : i32
    %c0_i32_0 = arith.constant 0 : i32
    return %arg0, %c0_i32 : i32, i32
  }
}

module attributes {stable_mosaic.version = 14 : i64} {
  func.func @_proj_body(%arg0: i32, %arg1: memref<2000x128xf32, #tpu.memory_space<vmem>>, %arg2: memref<128x128xf32, #tpu.memory_space<vmem>>, %arg3: memref<128x128xf32, #tpu.memory_space<vmem>>, %arg4: memref<2000x128xi32, #tpu.memory_space<vmem>>) attributes {dimension_semantics = [#tpu.dimension_semantics<arbitrary>], iteration_bounds = array<i64: 5>, scalar_prefetch = 0 : i64, scratch_operands = 0 : i64, tpu.core_type = #tpu.core_type<tc>, window_params = [{transform_indices = @transform_0, window_bounds = array<i64: 2000, 128>}, {pipeline_mode = #tpu.pipeline_mode<synchronous>, transform_indices = @transform_1, window_bounds = array<i64: 128, 128>}, {pipeline_mode = #tpu.pipeline_mode<synchronous>, transform_indices = @transform_2, window_bounds = array<i64: 128, 128>}, {transform_indices = @transform_3, window_bounds = array<i64: 2000, 128>}]} {
    %get3A = arith.constant 0 : index
    %get3A_0 = arith.constant 0 : index
    %get3A_1 = vector.load %arg1[%get3A, %get3A_0] : memref<2000x128xf32, #tpu.memory_space<vmem>>, vector<2000x128xf32>
    %get3A_2 = arith.constant 0 : index
    %get3A_3 = arith.constant 0 : index
    %get3A_4 = vector.load %arg2[%get3A_2, %get3A_3] : memref<128x128xf32, #tpu.memory_space<vmem>>, vector<128x128xf32>
    %dot_general3A = arith.constant dense<0.000000e+00> : vector<2000x128xf32>
    %dot_general3A_5 = tpu.matmul %get3A_1, %get3A_4, %dot_general3A {dimension_numbers = #tpu.dot_dimension_numbers<[1], [0], [0], [1], [0, 0, 1, 1], [], []>, transpose_lhs_hint = false} : vector<2000x128xf32>, vector<128x128xf32>, vector<2000x128xf32> -> vector<2000x128xf32>
    %get3A_6 = arith.constant 0 : index
    %get3A_7 = arith.constant 0 : index
    %get3A_8 = vector.load %arg3[%get3A_6, %get3A_7] : memref<128x128xf32, #tpu.memory_space<vmem>>, vector<128x128xf32>
    %dot_general3A_9 = arith.constant dense<0.000000e+00> : vector<2000x128xf32>
    %dot_general3A_10 = tpu.matmul %get3A_1, %get3A_8, %dot_general3A_9 {dimension_numbers = #tpu.dot_dimension_numbers<[1], [0], [0], [1], [0, 0, 1, 1], [], []>, transpose_lhs_hint = false} : vector<2000x128xf32>, vector<128x128xf32>, vector<2000x128xf32> -> vector<2000x128xf32>
    %bitcast_convert_type3A = tpu.bitcast %dot_general3A_5 : vector<2000x128xf32> -> vector<2000x128xi32>
    %add3A = arith.constant 32768 : i32
    %add3A_11 = vector.broadcast %add3A : i32 to vector<2000x128xi32>
    %add3A_12 = arith.addi %bitcast_convert_type3A, %add3A_11 : vector<2000x128xi32>
    %bitcast_convert_type3A_13 = tpu.bitcast %dot_general3A_10 : vector<2000x128xf32> -> vector<2000x128xi32>
    %add3A_14 = arith.constant 32768 : i32
    %add3A_15 = vector.broadcast %add3A_14 : i32 to vector<2000x128xi32>
    %add3A_16 = arith.addi %bitcast_convert_type3A_13, %add3A_15 : vector<2000x128xi32>
    %shift_right_logical3A = arith.constant 16 : i32
    %shift_right_logical3A_17 = vector.broadcast %shift_right_logical3A : i32 to vector<2000x128xi32>
    %shift_right_logical3A_18 = arith.shrui %add3A_12, %shift_right_logical3A_17 : vector<2000x128xi32>
    %and3A = arith.constant -65536 : i32
    %and3A_19 = vector.broadcast %and3A : i32 to vector<2000x128xi32>
    %and3A_20 = arith.andi %add3A_16, %and3A_19 : vector<2000x128xi32>
    %or3A = arith.ori %shift_right_logical3A_18, %and3A_20 : vector<2000x128xi32>
    %swap3A = arith.constant 0 : index
    %swap3A_21 = arith.constant 0 : index
    %swap3A_22 = vector.load %arg4[%swap3A, %swap3A_21] : memref<2000x128xi32, #tpu.memory_space<vmem>>, vector<2000x128xi32>
    tpu.vector_store %arg4[%swap3A, %swap3A_21], %or3A {strides = array<i32>} : memref<2000x128xi32, #tpu.memory_space<vmem>>, vector<2000x128xi32>,
    return
  }
  func.func @transform_0(%arg0: i32) -> (i32, i32) {
    %c0_i32 = arith.constant 0 : i32
    %c0_i32_0 = arith.constant 0 : i32
    return %arg0, %c0_i32 : i32, i32
  }
  func.func @transform_1(%arg0: i32) -> (i32, i32) {
    %c0_i32 = arith.constant 0 : i32
    %c0_i32_0 = arith.constant 0 : i32
    %c0_i32_1 = arith.constant 0 : i32
    return %c0_i32, %c0_i32_0 : i32, i32
  }
  func.func @transform_2(%arg0: i32) -> (i32, i32) {
    %c0_i32 = arith.constant 0 : i32
    %c0_i32_0 = arith.constant 0 : i32
    %c0_i32_1 = arith.constant 0 : i32
    return %c0_i32, %c0_i32_0 : i32, i32
  }
  func.func @transform_3(%arg0: i32) -> (i32, i32) {
    %c0_i32 = arith.constant 0 : i32
    %c0_i32_0 = arith.constant 0 : i32
    return %arg0, %c0_i32 : i32, i32
  }
}

module attributes {stable_mosaic.version = 14 : i64} {
  func.func @_gru_body(%arg0: i32, %arg1: memref<2000x128xf32, #tpu.memory_space<vmem>>, %arg2: memref<2000x128xf32, #tpu.memory_space<vmem>>, %arg3: memref<2000x128xf32, #tpu.memory_space<vmem>>, %arg4: memref<384x128xf32, #tpu.memory_space<vmem>>, %arg5: memref<384x128xf32, #tpu.memory_space<vmem>>, %arg6: memref<1x384xf32, #tpu.memory_space<vmem>>, %arg7: memref<1x384xf32, #tpu.memory_space<vmem>>, %arg8: memref<384x128xf32, #tpu.memory_space<vmem>>, %arg9: memref<384x128xf32, #tpu.memory_space<vmem>>, %arg10: memref<1x384xf32, #tpu.memory_space<vmem>>, %arg11: memref<1x384xf32, #tpu.memory_space<vmem>>, %arg12: memref<384x128xf32, #tpu.memory_space<vmem>>, %arg13: memref<384x128xf32, #tpu.memory_space<vmem>>, %arg14: memref<1x384xf32, #tpu.memory_space<vmem>>, %arg15: memref<1x384xf32, #tpu.memory_space<vmem>>, %arg16: memref<2000x128xf32, #tpu.memory_space<vmem>>) attributes {dimension_semantics = [#tpu.dimension_semantics<arbitrary>], iteration_bounds = array<i64: 5>, scalar_prefetch = 0 : i64, scratch_operands = 0 : i64, tpu.core_type = #tpu.core_type<tc>, window_params = [{transform_indices = @transform_0, window_bounds = array<i64: 2000, 128>}, {transform_indices = @transform_1, window_bounds = array<i64: 2000, 128>}, {transform_indices = @transform_2, window_bounds = array<i64: 2000, 128>}, {pipeline_mode = #tpu.pipeline_mode<synchronous>, transform_indices = @transform_3, window_bounds = array<i64: 384, 128>}, {pipeline_mode = #tpu.pipeline_mode<synchronous>, transform_indices = @transform_4, window_bounds = array<i64: 384, 128>}, {pipeline_mode = #tpu.pipeline_mode<synchronous>, transform_indices = @transform_5, window_bounds = array<i64: 1, 384>}, {pipeline_mode = #tpu.pipeline_mode<synchronous>, transform_indices = @transform_6, window_bounds = array<i64: 1, 384>}, {pipeline_mode = #tpu.pipeline_mode<synchronous>, transform_indices = @transform_7, window_bounds = array<i64: 384, 128>}, {pipeline_mode = #tpu.pipeline_mode<synchronous>, transform_indices = @transform_8, window_bounds = array<i64: 384, 128>}, {pipeline_mode = #tpu.pipeline_mode<synchronous>, transform_indices = @transform_9, window_bounds = array<i64: 1, 384>}, {pipeline_mode = #tpu.pipeline_mode<synchronous>, transform_indices = @transform_10, window_bounds = array<i64: 1, 384>}, {pipeline_mode = #tpu.pipeline_mode<synchronous>, transform_indices = @transform_11, window_bounds = array<i64: 384, 128>}, {pipeline_mode = #tpu.pipeline_mode<synchronous>, transform_indices = @transform_12, window_bounds = array<i64: 384, 128>}, {pipeline_mode = #tpu.pipeline_mode<synchronous>, transform_indices = @transform_13, window_bounds = array<i64: 1, 384>}, {pipeline_mode = #tpu.pipeline_mode<synchronous>, transform_indices = @transform_14, window_bounds = array<i64: 1, 384>}, {transform_indices = @transform_15, window_bounds = array<i64: 2000, 128>}]} {
    %get3A = arith.constant 0 : index
    %get3A_0 = arith.constant 0 : index
    %get3A_1 = vector.load %arg1[%get3A, %get3A_0] : memref<2000x128xf32, #tpu.memory_space<vmem>>, vector<2000x128xf32>
    %get3A_2 = arith.constant 0 : index
    %get3A_3 = arith.constant 0 : index
    %get3A_4 = vector.load %arg2[%get3A_2, %get3A_3] : memref<2000x128xf32, #tpu.memory_space<vmem>>, vector<2000x128xf32>
    %get3A_5 = arith.constant 0 : index
    %get3A_6 = arith.constant 0 : index
    %get3A_7 = vector.load %arg3[%get3A_5, %get3A_6] : memref<2000x128xf32, #tpu.memory_space<vmem>>, vector<2000x128xf32>
    %add3A = arith.addf %get3A_4, %get3A_7 : vector<2000x128xf32>
    %get3A_8 = arith.constant 0 : index
    %get3A_9 = arith.constant 0 : index
    %get3A_10 = vector.load %arg4[%get3A_8, %get3A_9] : memref<384x128xf32, #tpu.memory_space<vmem>>, vector<384x128xf32>
    %dot_general3A = arith.constant dense<0.000000e+00> : vector<2000x384xf32>
    %dot_general3A_11 = tpu.matmul %get3A_1, %get3A_10, %dot_general3A {dimension_numbers = #tpu.dot_dimension_numbers<[1], [1], [0], [0], [0, 0, 1, 0], [], []>, transpose_lhs_hint = false} : vector<2000x128xf32>, vector<384x128xf32>, vector<2000x384xf32> -> vector<2000x384xf32>
    %get3A_12 = arith.constant 0 : index
    %get3A_13 = arith.constant 0 : index
    %get3A_14 = vector.load %arg6[%get3A_12, %get3A_13] : memref<1x384xf32, #tpu.memory_space<vmem>>, vector<1x384xf32>
    %add3A_15 = vector.broadcast %get3A_14 : vector<1x384xf32> to vector<2000x384xf32>
    %add3A_16 = arith.addf %dot_general3A_11, %add3A_15 : vector<2000x384xf32>
    %get3A_17 = arith.constant 0 : index
    %get3A_18 = arith.constant 0 : index
    %get3A_19 = vector.load %arg5[%get3A_17, %get3A_18] : memref<384x128xf32, #tpu.memory_space<vmem>>, vector<384x128xf32>
    %dot_general3A_20 = arith.constant dense<0.000000e+00> : vector<2000x384xf32>
    %dot_general3A_21 = tpu.matmul %add3A, %get3A_19, %dot_general3A_20 {dimension_numbers = #tpu.dot_dimension_numbers<[1], [1], [0], [0], [0, 0, 1, 0], [], []>, transpose_lhs_hint = false} : vector<2000x128xf32>, vector<384x128xf32>, vector<2000x384xf32> -> vector<2000x384xf32>
    %get3A_22 = arith.constant 0 : index
    %get3A_23 = arith.constant 0 : index
    %get3A_24 = vector.load %arg7[%get3A_22, %get3A_23] : memref<1x384xf32, #tpu.memory_space<vmem>>, vector<1x384xf32>
    %add3A_25 = vector.broadcast %get3A_24 : vector<1x384xf32> to vector<2000x384xf32>
    %add3A_26 = arith.addf %dot_general3A_21, %add3A_25 : vector<2000x384xf32>
    %slice3A = vector.extract_strided_slice %add3A_16 {offsets = [0, 0], sizes = [2000, 128], strides = [1, 1]} : vector<2000x384xf32> to vector<2000x128xf32>
    %slice3A_27 = vector.extract_strided_slice %add3A_26 {offsets = [0, 0], sizes = [2000, 128], strides = [1, 1]} : vector<2000x384xf32> to vector<2000x128xf32>
    %add3A_28 = arith.addf %slice3A, %slice3A_27 : vector<2000x128xf32>
    %logistic3A = arith.negf %add3A_28 : vector<2000x128xf32>
    %logistic3A_29 = math.exp %logistic3A : vector<2000x128xf32>
    %logistic3A_30 = arith.constant 1.000000e+00 : f32
    %logistic3A_31 = vector.broadcast %logistic3A_30 : f32 to vector<2000x128xf32>
    %logistic3A_32 = arith.addf %logistic3A_31, %logistic3A_29 : vector<2000x128xf32>
    %logistic3A_33 = arith.divf %logistic3A_31, %logistic3A_32 : vector<2000x128xf32>
    %slice3A_34 = vector.extract_strided_slice %add3A_16 {offsets = [0, 128], sizes = [2000, 128], strides = [1, 1]} : vector<2000x384xf32> to vector<2000x128xf32>
    %slice3A_35 = vector.extract_strided_slice %add3A_26 {offsets = [0, 128], sizes = [2000, 128], strides = [1, 1]} : vector<2000x384xf32> to vector<2000x128xf32>
    %add3A_36 = arith.addf %slice3A_34, %slice3A_35 : vector<2000x128xf32>
    %logistic3A_37 = arith.negf %add3A_36 : vector<2000x128xf32>
    %logistic3A_38 = math.exp %logistic3A_37 : vector<2000x128xf32>
    %logistic3A_39 = arith.constant 1.000000e+00 : f32
    %logistic3A_40 = vector.broadcast %logistic3A_39 : f32 to vector<2000x128xf32>
    %logistic3A_41 = arith.addf %logistic3A_40, %logistic3A_38 : vector<2000x128xf32>
    %logistic3A_42 = arith.divf %logistic3A_40, %logistic3A_41 : vector<2000x128xf32>
    %slice3A_43 = vector.extract_strided_slice %add3A_16 {offsets = [0, 256], sizes = [2000, 128], strides = [1, 1]} : vector<2000x384xf32> to vector<2000x128xf32>
    %slice3A_44 = vector.extract_strided_slice %add3A_26 {offsets = [0, 256], sizes = [2000, 128], strides = [1, 1]} : vector<2000x384xf32> to vector<2000x128xf32>
    %mul3A = arith.mulf %logistic3A_33, %slice3A_44 : vector<2000x128xf32>
    %add3A_45 = arith.addf %slice3A_43, %mul3A : vector<2000x128xf32>
    %tanh3A = math.tanh %add3A_45 : vector<2000x128xf32>
    %sub3A = arith.constant 1.000000e+00 : f32
    %sub3A_46 = vector.broadcast %sub3A : f32 to vector<2000x128xf32>
    %sub3A_47 = arith.subf %sub3A_46, %logistic3A_42 : vector<2000x128xf32>
    %mul3A_48 = arith.mulf %sub3A_47, %tanh3A : vector<2000x128xf32>
    %mul3A_49 = arith.mulf %logistic3A_42, %add3A : vector<2000x128xf32>
    %add3A_50 = arith.addf %mul3A_48, %mul3A_49 : vector<2000x128xf32>
    %get3A_51 = arith.constant 0 : index
    %get3A_52 = arith.constant 0 : index
    %get3A_53 = vector.load %arg8[%get3A_51, %get3A_52] : memref<384x128xf32, #tpu.memory_space<vmem>>, vector<384x128xf32>
    %dot_general3A_54 = arith.constant dense<0.000000e+00> : vector<2000x384xf32>
    %dot_general3A_55 = tpu.matmul %add3A, %get3A_53, %dot_general3A_54 {dimension_numbers = #tpu.dot_dimension_numbers<[1], [1], [0], [0], [0, 0, 1, 0], [], []>, transpose_lhs_hint = false} : vector<2000x128xf32>, vector<384x128xf32>, vector<2000x384xf32> -> vector<2000x384xf32>
    %get3A_56 = arith.constant 0 : index
    %get3A_57 = arith.constant 0 : index
    %get3A_58 = vector.load %arg10[%get3A_56, %get3A_57] : memref<1x384xf32, #tpu.memory_space<vmem>>, vector<1x384xf32>
    %add3A_59 = vector.broadcast %get3A_58 : vector<1x384xf32> to vector<2000x384xf32>
    %add3A_60 = arith.addf %dot_general3A_55, %add3A_59 : vector<2000x384xf32>
    %get3A_61 = arith.constant 0 : index
    %get3A_62 = arith.constant 0 : index
    %get3A_63 = vector.load %arg9[%get3A_61, %get3A_62] : memref<384x128xf32, #tpu.memory_space<vmem>>, vector<384x128xf32>
    %dot_general3A_64 = arith.constant dense<0.000000e+00> : vector<2000x384xf32>
    %dot_general3A_65 = tpu.matmul %add3A_50, %get3A_63, %dot_general3A_64 {dimension_numbers = #tpu.dot_dimension_numbers<[1], [1], [0], [0], [0, 0, 1, 0], [], []>, transpose_lhs_hint = false} : vector<2000x128xf32>, vector<384x128xf32>, vector<2000x384xf32> -> vector<2000x384xf32>
    %get3A_66 = arith.constant 0 : index
    %get3A_67 = arith.constant 0 : index
    %get3A_68 = vector.load %arg11[%get3A_66, %get3A_67] : memref<1x384xf32, #tpu.memory_space<vmem>>, vector<1x384xf32>
    %add3A_69 = vector.broadcast %get3A_68 : vector<1x384xf32> to vector<2000x384xf32>
    %add3A_70 = arith.addf %dot_general3A_65, %add3A_69 : vector<2000x384xf32>
    %slice3A_71 = vector.extract_strided_slice %add3A_60 {offsets = [0, 0], sizes = [2000, 128], strides = [1, 1]} : vector<2000x384xf32> to vector<2000x128xf32>
    %slice3A_72 = vector.extract_strided_slice %add3A_70 {offsets = [0, 0], sizes = [2000, 128], strides = [1, 1]} : vector<2000x384xf32> to vector<2000x128xf32>
    %add3A_73 = arith.addf %slice3A_71, %slice3A_72 : vector<2000x128xf32>
    %logistic3A_74 = arith.negf %add3A_73 : vector<2000x128xf32>
    %logistic3A_75 = math.exp %logistic3A_74 : vector<2000x128xf32>
    %logistic3A_76 = arith.constant 1.000000e+00 : f32
    %logistic3A_77 = vector.broadcast %logistic3A_76 : f32 to vector<2000x128xf32>
    %logistic3A_78 = arith.addf %logistic3A_77, %logistic3A_75 : vector<2000x128xf32>
    %logistic3A_79 = arith.divf %logistic3A_77, %logistic3A_78 : vector<2000x128xf32>
    %slice3A_80 = vector.extract_strided_slice %add3A_60 {offsets = [0, 128], sizes = [2000, 128], strides = [1, 1]} : vector<2000x384xf32> to vector<2000x128xf32>
    %slice3A_81 = vector.extract_strided_slice %add3A_70 {offsets = [0, 128], sizes = [2000, 128], strides = [1, 1]} : vector<2000x384xf32> to vector<2000x128xf32>
    %add3A_82 = arith.addf %slice3A_80, %slice3A_81 : vector<2000x128xf32>
    %logistic3A_83 = arith.negf %add3A_82 : vector<2000x128xf32>
    %logistic3A_84 = math.exp %logistic3A_83 : vector<2000x128xf32>
    %logistic3A_85 = arith.constant 1.000000e+00 : f32
    %logistic3A_86 = vector.broadcast %logistic3A_85 : f32 to vector<2000x128xf32>
    %logistic3A_87 = arith.addf %logistic3A_86, %logistic3A_84 : vector<2000x128xf32>
    %logistic3A_88 = arith.divf %logistic3A_86, %logistic3A_87 : vector<2000x128xf32>
    %slice3A_89 = vector.extract_strided_slice %add3A_60 {offsets = [0, 256], sizes = [2000, 128], strides = [1, 1]} : vector<2000x384xf32> to vector<2000x128xf32>
    %slice3A_90 = vector.extract_strided_slice %add3A_70 {offsets = [0, 256], sizes = [2000, 128], strides = [1, 1]} : vector<2000x384xf32> to vector<2000x128xf32>
    %mul3A_91 = arith.mulf %logistic3A_79, %slice3A_90 : vector<2000x128xf32>
    %add3A_92 = arith.addf %slice3A_89, %mul3A_91 : vector<2000x128xf32>
    %tanh3A_93 = math.tanh %add3A_92 : vector<2000x128xf32>
    %sub3A_94 = arith.constant 1.000000e+00 : f32
    %sub3A_95 = vector.broadcast %sub3A_94 : f32 to vector<2000x128xf32>
    %sub3A_96 = arith.subf %sub3A_95, %logistic3A_88 : vector<2000x128xf32>
    %mul3A_97 = arith.mulf %sub3A_96, %tanh3A_93 : vector<2000x128xf32>
    %mul3A_98 = arith.mulf %logistic3A_88, %add3A_50 : vector<2000x128xf32>
    %add3A_99 = arith.addf %mul3A_97, %mul3A_98 : vector<2000x128xf32>
    %get3A_100 = arith.constant 0 : index
    %get3A_101 = arith.constant 0 : index
    %get3A_102 = vector.load %arg12[%get3A_100, %get3A_101] : memref<384x128xf32, #tpu.memory_space<vmem>>, vector<384x128xf32>
    %dot_general3A_103 = arith.constant dense<0.000000e+00> : vector<2000x384xf32>
    %dot_general3A_104 = tpu.matmul %add3A_50, %get3A_102, %dot_general3A_103 {dimension_numbers = #tpu.dot_dimension_numbers<[1], [1], [0], [0], [0, 0, 1, 0], [], []>, transpose_lhs_hint = false} : vector<2000x128xf32>, vector<384x128xf32>, vector<2000x384xf32> -> vector<2000x384xf32>
    %get3A_105 = arith.constant 0 : index
    %get3A_106 = arith.constant 0 : index
    %get3A_107 = vector.load %arg14[%get3A_105, %get3A_106] : memref<1x384xf32, #tpu.memory_space<vmem>>, vector<1x384xf32>
    %add3A_108 = vector.broadcast %get3A_107 : vector<1x384xf32> to vector<2000x384xf32>
    %add3A_109 = arith.addf %dot_general3A_104, %add3A_108 : vector<2000x384xf32>
    %get3A_110 = arith.constant 0 : index
    %get3A_111 = arith.constant 0 : index
    %get3A_112 = vector.load %arg13[%get3A_110, %get3A_111] : memref<384x128xf32, #tpu.memory_space<vmem>>, vector<384x128xf32>
    %dot_general3A_113 = arith.constant dense<0.000000e+00> : vector<2000x384xf32>
    %dot_general3A_114 = tpu.matmul %add3A_99, %get3A_112, %dot_general3A_113 {dimension_numbers = #tpu.dot_dimension_numbers<[1], [1], [0], [0], [0, 0, 1, 0], [], []>, transpose_lhs_hint = false} : vector<2000x128xf32>, vector<384x128xf32>, vector<2000x384xf32> -> vector<2000x384xf32>
    %get3A_115 = arith.constant 0 : index
    %get3A_116 = arith.constant 0 : index
    %get3A_117 = vector.load %arg15[%get3A_115, %get3A_116] : memref<1x384xf32, #tpu.memory_space<vmem>>, vector<1x384xf32>
    %add3A_118 = vector.broadcast %get3A_117 : vector<1x384xf32> to vector<2000x384xf32>
    %add3A_119 = arith.addf %dot_general3A_114, %add3A_118 : vector<2000x384xf32>
    %slice3A_120 = vector.extract_strided_slice %add3A_109 {offsets = [0, 0], sizes = [2000, 128], strides = [1, 1]} : vector<2000x384xf32> to vector<2000x128xf32>
    %slice3A_121 = vector.extract_strided_slice %add3A_119 {offsets = [0, 0], sizes = [2000, 128], strides = [1, 1]} : vector<2000x384xf32> to vector<2000x128xf32>
    %add3A_122 = arith.addf %slice3A_120, %slice3A_121 : vector<2000x128xf32>
    %logistic3A_123 = arith.negf %add3A_122 : vector<2000x128xf32>
    %logistic3A_124 = math.exp %logistic3A_123 : vector<2000x128xf32>
    %logistic3A_125 = arith.constant 1.000000e+00 : f32
    %logistic3A_126 = vector.broadcast %logistic3A_125 : f32 to vector<2000x128xf32>
    %logistic3A_127 = arith.addf %logistic3A_126, %logistic3A_124 : vector<2000x128xf32>
    %logistic3A_128 = arith.divf %logistic3A_126, %logistic3A_127 : vector<2000x128xf32>
    %slice3A_129 = vector.extract_strided_slice %add3A_109 {offsets = [0, 128], sizes = [2000, 128], strides = [1, 1]} : vector<2000x384xf32> to vector<2000x128xf32>
    %slice3A_130 = vector.extract_strided_slice %add3A_119 {offsets = [0, 128], sizes = [2000, 128], strides = [1, 1]} : vector<2000x384xf32> to vector<2000x128xf32>
    %add3A_131 = arith.addf %slice3A_129, %slice3A_130 : vector<2000x128xf32>
    %logistic3A_132 = arith.negf %add3A_131 : vector<2000x128xf32>
    %logistic3A_133 = math.exp %logistic3A_132 : vector<2000x128xf32>
    %logistic3A_134 = arith.constant 1.000000e+00 : f32
    %logistic3A_135 = vector.broadcast %logistic3A_134 : f32 to vector<2000x128xf32>
    %logistic3A_136 = arith.addf %logistic3A_135, %logistic3A_133 : vector<2000x128xf32>
    %logistic3A_137 = arith.divf %logistic3A_135, %logistic3A_136 : vector<2000x128xf32>
    %slice3A_138 = vector.extract_strided_slice %add3A_109 {offsets = [0, 256], sizes = [2000, 128], strides = [1, 1]} : vector<2000x384xf32> to vector<2000x128xf32>
    %slice3A_139 = vector.extract_strided_slice %add3A_119 {offsets = [0, 256], sizes = [2000, 128], strides = [1, 1]} : vector<2000x384xf32> to vector<2000x128xf32>
    %mul3A_140 = arith.mulf %logistic3A_128, %slice3A_139 : vector<2000x128xf32>
    %add3A_141 = arith.addf %slice3A_138, %mul3A_140 : vector<2000x128xf32>
    %tanh3A_142 = math.tanh %add3A_141 : vector<2000x128xf32>
    %sub3A_143 = arith.constant 1.000000e+00 : f32
    %sub3A_144 = vector.broadcast %sub3A_143 : f32 to vector<2000x128xf32>
    %sub3A_145 = arith.subf %sub3A_144, %logistic3A_137 : vector<2000x128xf32>
    %mul3A_146 = arith.mulf %sub3A_145, %tanh3A_142 : vector<2000x128xf32>
    %mul3A_147 = arith.mulf %logistic3A_137, %add3A_99 : vector<2000x128xf32>
    %add3A_148 = arith.addf %mul3A_146, %mul3A_147 : vector<2000x128xf32>
    %swap3A = arith.constant 0 : index
    %swap3A_149 = arith.constant 0 : index
    %swap3A_150 = vector.load %arg16[%swap3A, %swap3A_149] : memref<2000x128xf32, #tpu.memory_space<vmem>>, vector<2000x128xf32>
    tpu.vector_store %arg16[%swap3A, %swap3A_149], %add3A_148 {strides = array<i32>} : memref<2000x128xf32, #tpu.memory_space<vmem>>, vector<2000x128xf32>,
    return
  }
  func.func @transform_0(%arg0: i32) -> (i32, i32) {
    %c0_i32 = arith.constant 0 : i32
    %c0_i32_0 = arith.constant 0 : i32
    return %arg0, %c0_i32 : i32, i32
  }
  func.func @transform_1(%arg0: i32) -> (i32, i32) {
    %c0_i32 = arith.constant 0 : i32
    %c0_i32_0 = arith.constant 0 : i32
    return %arg0, %c0_i32 : i32, i32
  }
  func.func @transform_2(%arg0: i32) -> (i32, i32) {
    %c0_i32 = arith.constant 0 : i32
    %c0_i32_0 = arith.constant 0 : i32
    return %arg0, %c0_i32 : i32, i32
  }
  func.func @transform_3(%arg0: i32) -> (i32, i32) {
    %c0_i32 = arith.constant 0 : i32
    %c0_i32_0 = arith.constant 0 : i32
    %c0_i32_1 = arith.constant 0 : i32
    return %c0_i32, %c0_i32_0 : i32, i32
  }
  func.func @transform_4(%arg0: i32) -> (i32, i32) {
    %c0_i32 = arith.constant 0 : i32
    %c0_i32_0 = arith.constant 0 : i32
    %c0_i32_1 = arith.constant 0 : i32
    return %c0_i32, %c0_i32_0 : i32, i32
  }
  func.func @transform_5(%arg0: i32) -> (i32, i32) {
    %c0_i32 = arith.constant 0 : i32
    %c0_i32_0 = arith.constant 0 : i32
    %c0_i32_1 = arith.constant 0 : i32
    return %c0_i32, %c0_i32_0 : i32, i32
  }
  func.func @transform_6(%arg0: i32) -> (i32, i32) {
    %c0_i32 = arith.constant 0 : i32
    %c0_i32_0 = arith.constant 0 : i32
    %c0_i32_1 = arith.constant 0 : i32
    return %c0_i32, %c0_i32_0 : i32, i32
  }
  func.func @transform_7(%arg0: i32) -> (i32, i32) {
    %c0_i32 = arith.constant 0 : i32
    %c0_i32_0 = arith.constant 0 : i32
    %c0_i32_1 = arith.constant 0 : i32
    return %c0_i32, %c0_i32_0 : i32, i32
  }
  func.func @transform_8(%arg0: i32) -> (i32, i32) {
    %c0_i32 = arith.constant 0 : i32
    %c0_i32_0 = arith.constant 0 : i32
    %c0_i32_1 = arith.constant 0 : i32
    return %c0_i32, %c0_i32_0 : i32, i32
  }
  func.func @transform_9(%arg0: i32) -> (i32, i32) {
    %c0_i32 = arith.constant 0 : i32
    %c0_i32_0 = arith.constant 0 : i32
    %c0_i32_1 = arith.constant 0 : i32
    return %c0_i32, %c0_i32_0 : i32, i32
  }
  func.func @transform_10(%arg0: i32) -> (i32, i32) {
    %c0_i32 = arith.constant 0 : i32
    %c0_i32_0 = arith.constant 0 : i32
    %c0_i32_1 = arith.constant 0 : i32
    return %c0_i32, %c0_i32_0 : i32, i32
  }
  func.func @transform_11(%arg0: i32) -> (i32, i32) {
    %c0_i32 = arith.constant 0 : i32
    %c0_i32_0 = arith.constant 0 : i32
    %c0_i32_1 = arith.constant 0 : i32
    return %c0_i32, %c0_i32_0 : i32, i32
  }
  func.func @transform_12(%arg0: i32) -> (i32, i32) {
    %c0_i32 = arith.constant 0 : i32
    %c0_i32_0 = arith.constant 0 : i32
    %c0_i32_1 = arith.constant 0 : i32
    return %c0_i32, %c0_i32_0 : i32, i32
  }
  func.func @transform_13(%arg0: i32) -> (i32, i32) {
    %c0_i32 = arith.constant 0 : i32
    %c0_i32_0 = arith.constant 0 : i32
    %c0_i32_1 = arith.constant 0 : i32
    return %c0_i32, %c0_i32_0 : i32, i32
  }
  func.func @transform_14(%arg0: i32) -> (i32, i32) {
    %c0_i32 = arith.constant 0 : i32
    %c0_i32_0 = arith.constant 0 : i32
    %c0_i32_1 = arith.constant 0 : i32
    return %c0_i32, %c0_i32_0 : i32, i32
  }
  func.func @transform_15(%arg0: i32) -> (i32, i32) {
    %c0_i32 = arith.constant 0 : i32
    %c0_i32_0 = arith.constant 0 : i32
    return %arg0, %c0_i32 : i32, i32
  }
}

</mosaic_0001>

<sc_bundles>
// kernel: kernel.10.cloned.1.call-start
scs
__scs_entry_jumppad:
0x0: {  	(pc) =	sbr.rel $0x88, $3  }
0x1: {  	(tag) =	ssettag $0x0;
	lr =	simm.s32 $0x1  }
0x2: {  	[smem:$0x3F8B] =	sst lr;
	_ =	strace $0xD0000000  }
0x3: {  	_ = 	snop  }
0x4: {  	_ = 	snop  }
0x5: {  	_ = 	snop  }
0x6: {  	_ = 	snop  }
0x7: {  	_ = 	snop  }
__scs_overlays_trampoline_lowered:
0x8: {  	[smem:$0x3F9A] =	sst s0  }
0x9: {  	[smem:$0x3F9B] =	sst s1  }
0xa: {  	[smem:$0x3F9C] =	sst s2  }
0xb: {  	[smem:$0x3F9D] =	sst s3  }
0xc: {  	[smem:$0x3F9E] =	sst s4  }
0xd: {  	[smem:$0x3F9F] =	sst s5  }
0xe: {  	[smem:$0x3FA0] =	sst s6  }
0xf: {  	[smem:$0x3FA1] =	sst s7  }
0x10: {  	[smem:$0x3FA2] =	sst s8  }
0x11: {  	[smem:$0x3FA3] =	sst s9;
	s0 =	simm.s32 @!p0 $0x0  }
0x12: {  	s1 =	sld [smem:$0x3F89];
	s0 =	simm.s32 @p0 $0x1  }
0x13: {  	[smem:$0x3FA4] =	sst s0;
	s0 =	simm.s32 @!p1 $0x0  }
0x14: {  	s2 =	sld [smem:$0x3F88];
	s0 =	simm.s32 @p1 $0x1  }
0x15: {  	[smem:$0x3FA5] =	sst s0;
	s0 =	simm.s32 @!p2 $0x0  }
0x16: {  	s3 =	sld [smem:$0x3FDB];
	s0 =	simm.s32 @p2 $0x1  }
0x17: {  	s4 =	simm.s32 $0x1BF5;
	[smem:$0x3FA7] =	sst s0  }
0x18: {  	s0 =	sld [smem:$0x3F8A];
	_ =	swait.ge [sflag:s4], $0x0  }
0x19: {  	s7 =	sld [smem:$0x3F8B]  }
0x1a: {  	s8 =	sadd.s32 $0xFFFFE003, lr  }
0x1b: {  	s9 =	sadd.s32 $0xFFFFFEF7, lr;
	s5 =	simm.s32 $0xFFFFFFFF;
	p2 =	slt.u32 s8, $0xFFFFF086  }
0x1c: {  	p1 =	slt.u32 s9, $0xF7A;
	s5 =	simm.s32 @!p2 $0x0  }
0x1d: {  	s5 =	simm.s32 @p1 $0x1;
	p0 =	seq.s32 s7, s2  }
0x1e: {  	s7 =	smul.u32 @!p0 $0xF7A, s2;
	p2 =	seq.s32 @!p0 s5, $0x0  }
0x1f: {  	s9 =	smul.u32 $0xF7A, s1;
	s8 =	simm.s32 @!p0 $0x1BF5;
	p2 =	por !p2, p0  }
0x20: {  	[sflag:s8] =	ssyncset.s32 @!p0 $0xFFFFF086;
	s6 =	sadd.s32 @!p0 s3, s7;
	s7 =	simm.s32 @!p0 $0x108  }
0x21: {  	s3 =	sadd.s32 s3, s9;
	s6 =	sadd.s32 @!p0 $0x88, s6;
	s7 =	simm.s32 @p2 $0x1082  }
0x22: {  	[simem:s7], [sflag:s8] =	dma.local @!p0 [hbm:s6], $0xF7A  }
0x23: {  	s9 =	sor.u32 $0xD0000000, s2;
	s6 =	simm.s32 $0x108;
	_ =	swait.ge @!p0 [sflag:s8], $0x0  }
0x24: {  	s3 =	sadd.s32 $0x88, s3;
	s6 =	simm.s32 @!p1 $0x1082;
	[sflag:s4] =	ssyncset.s32 $0xFFFFF086  }
0x25: {  	[simem:s6], [sflag:s4] =	dma.local [hbm:s3], $0xF7A  }
0x26: {  	[smem:$0x3F8B] =	sst s1;
	(tag) =	ssettag s2;
	_ =	strace s9  }
0x27: {  	s1 =	sld [smem:$0x3F9B]  }
0x28: {  	s2 =	sld [smem:$0x3F9C]  }
0x29: {  	s4 =	sld [smem:$0x3F9E]  }
0x2a: {  	p0 =	seq.s32 s5, $0x0;
	s5 =	sld [smem:$0x3F9F]  }
0x2b: {  	s6 =	sld [smem:$0x3FA0]  }
0x2c: {  	s7 =	sld [smem:$0x3FA1]  }
0x2d: {  	s3 =	simm.s32 $0x108;
	s8 =	sld [smem:$0x3FA2]  }
0x2e: {  	s3 =	simm.s32 @!p0 $0x1082;
	s9 =	sld [smem:$0x3FA3]  }
0x2f: {  	lr =	sadd.s32 s0, s3;
	s0 =	sld [smem:$0x3F9A]  }
0x30: {  	s3 =	sld [smem:$0x3F9D]  }
0x31: {  	[smem:$0x3FA6] =	sst s10  }
0x32: {  	s10 =	sld [smem:$0x3FA4];
	_ =	sdelay $0x3  }
0x33: {  	p0 =	seq.s32 s10, $0x1;
	s10 =	sld [smem:$0x3FA6];
	_ =	sdelay $0x3  }
0x34: {  	[smem:$0x3FA6] =	sst s10  }
0x35: {  	s10 =	sld [smem:$0x3FA5];
	_ =	sdelay $0x3  }
0x36: {  	p1 =	seq.s32 s10, $0x1;
	s10 =	sld [smem:$0x3FA6];
	_ =	sdelay $0x3  }
0x37: {  	[smem:$0x3FA6] =	sst s10  }
0x38: {  	s10 =	sld [smem:$0x3FA7]  }
0x39: {  	_ = 	snop;
	(pc) =	sbr.ind lr, $3  }
0x3a: {  	_ = 	snop  }
0x3b: {  	_ = 	snop  }
0x3c: {  	p2 =	seq.s32 s10, $0x1;
	s10 =	sld [smem:$0x3FA6]  }
0x3d: {  	_ =	shalt  }
0x3e: {  	_ =	shalt  }
0x3f: {  	_ =	shalt  }
0x40: {  	_ =	shalt  }
0x41: {  	_ =	shalt  }
0x42: {  	_ =	shalt  }
0x43: {  	_ =	shalt  }
0x44: {  	_ =	shalt  }
0x45: {  	_ =	shalt  }
0x46: {  	_ =	shalt  }
0x47: {  	_ =	shalt  }
0x48: {  	_ =	shalt  }
0x49: {  	_ =	shalt  }
0x4a: {  	_ =	shalt  }
0x4b: {  	_ =	shalt  }
0x4c: {  	_ =	shalt  }
0x4d: {  	_ =	shalt  }
0x4e: {  	_ =	shalt  }
0x4f: {  	_ =	shalt  }
0x50: {  	_ =	shalt  }
0x51: {  	_ =	shalt  }
0x52: {  	_ =	shalt  }
0x53: {  	_ =	shalt  }
0x54: {  	_ =	shalt  }
0x55: {  	_ =	shalt  }
0x56: {  	_ =	shalt  }
0x57: {  	_ =	shalt  }
0x58: {  	_ =	shalt  }
0x59: {  	_ =	shalt  }
0x5a: {  	_ =	shalt  }
0x5b: {  	_ =	shalt  }
0x5c: {  	_ =	shalt  }
0x5d: {  	_ =	shalt  }
0x5e: {  	_ =	shalt  }
0x5f: {  	_ =	shalt  }
0x60: {  	_ =	shalt  }
0x61: {  	_ =	shalt  }
0x62: {  	_ =	shalt  }
0x63: {  	_ =	shalt  }
0x64: {  	_ =	shalt  }
0x65: {  	_ =	shalt  }
0x66: {  	_ =	shalt  }
0x67: {  	_ =	shalt  }
0x68: {  	_ =	shalt  }
0x69: {  	_ =	shalt  }
0x6a: {  	_ =	shalt  }
0x6b: {  	_ =	shalt  }
0x6c: {  	_ =	shalt  }
0x6d: {  	_ =	shalt  }
0x6e: {  	_ =	shalt  }
0x6f: {  	_ =	shalt  }
0x70: {  	_ =	shalt  }
0x71: {  	_ =	shalt  }
0x72: {  	_ =	shalt  }
0x73: {  	_ =	shalt  }
0x74: {  	_ =	shalt  }
0x75: {  	_ =	shalt  }
0x76: {  	_ =	shalt  }
0x77: {  	_ =	shalt  }
0x78: {  	_ =	shalt  }
0x79: {  	_ =	shalt  }
0x7a: {  	_ =	shalt  }
0x7b: {  	_ =	shalt  }
0x7c: {  	_ =	shalt  }
0x7d: {  	_ =	shalt  }
0x7e: {  	_ =	shalt  }
0x7f: {  	_ =	shalt  }
0x80: {  	_ =	shalt  }
0x81: {  	_ =	shalt  }
0x82: {  	_ =	shalt  }
0x83: {  	_ =	shalt  }
0x84: {  	_ =	shalt  }
0x85: {  	_ =	shalt  }
0x86: {  	_ =	shalt  }
0x87: {  	_ =	shalt  }
.Lfunc_end0:
.L_simem_size_0:
called_computation.1_lowered:
.L_overlay_start_0:
0x88: {  	s2 =	sld [smem:$0x3FD9]  }
0x89: {  	s3 =	sld [smem:$0x3FFE];
	_ =	sdelay $0x1  }
0x8a: {  	s1 =	srdreg.scid  }
0x8b: {  	s0 =	sand.u32 $0x1, s1  }
0x8c: {  	s17 =	sshll.u32 s0, $0xA;
	s2 =	sadd.s32 s3, s2  }
0x8d: {  	s2 =	sadd.s32 s2, s17  }
0x8e: {  	[smem:$0x3FB2] =	sst s2  }
0x8f: {  	_ = 	snop  }
0x90: {  	s2 =	sld [smem:$0x3FC8]  }
0x91: {  	s18 =	sld [smem:$0x3FC7];
	(tm) =	ssettm $0x1  }
0x92: {  	s4 =	sld [smem:$0x3FFB];
	_ =	sdelay $0x3  }
0x93: {  	_ =	strace s4  }
0x94: {  	s4 =	sld [smem:$0x3FFC];
	_ =	sdelay $0x3  }
0x95: {  	_ =	strace s4  }
0x96: {  	s4 =	sld [smem:$0x3FFD];
	_ =	sdelay $0x3  }
0x97: {  	_ =	strace s4  }
0x98: {  	_ =	strace $0x8FFFFFFF  }
0x99: {  	s19 =	sld [smem:$0x3FDB];
	_ =	sdelay $0x1  }
0x9a: {  	s5 =	simm.s32 $_scs_section_size  }
0x9b: {  	s6 =	simm.s32 $_size__tile_overlayer_lowered;
	s7 =	simm.s32 $_tile_overlayer_lowered  }
0x9c: {  	s22 =	simm.s32 $0x1BFF;
	s21 =	sshll.u32 s7, $0x1;
	s4 =	sadd.s32 s5, s19  }
0x9d: {  	s8 =	simm.s32 $0x0;
	s20 =	sshll.u32 s6, $0x1;
	s6 =	sadd.s32 s21, s4  }
0x9e: {  	[timem:s8], [sflag:s22] =	dma.local [hbm:s6], s20  }
0x9f: {  	_ =	swait.ge [sflag:s22], s20  }
0xa0: {  	s5 =	ssub.s32 $0x0, s20;
	[sflag:s22] =	ssyncset.done $0x0  }
0xa1: {  	[sflag:s22] =	ssyncadd.s32 s5;
	_ =	sdelay $0x1  }
0xa2: {  	s23 =	simm.s32 $0x1B8B  }
0xa3: {  	_ =	swait.ge [sflag:s23], $0x1  }
0xa4: {  	[sflag:s23] =	ssyncset.done $0x0  }
0xa5: {  	s25 =	simm.s32 $0x1B8E;
	s24 =	sld [smem:$0x3FFE];
	[sflag:s23] =	ssyncadd.s32 $0xFFFFFFFF  }
0xa6: {  	s26 =	simm.s32 $execute0_lowered;
	[smem:$0x3FD2] =	sst s25  }
0xa7: {  	s6 =	sshll.u32 s26, $0x1;
	_ =	strace $0x80000049;
	[dreg:$0x1] =	wrdreg $0xFFFFFFFF  }
0xa8: {  	s28 =	simm.s32 $_size_execute0_lowered;
	s4 =	sadd.s32 s4, s6;
	[dreg:$0x0] =	wrdreg $0x0  }
0xa9: {  	s6 =	sshll.u32 s28, $0x1;
	[dreg:$0x2] =	wrdreg s4  }
0xaa: {  	[dreg:$0x3] =	wrdreg s6  }
0xab: {  	[dreg:$0x4] =	wrdreg $0xC0  }
0xac: {  	_ =	task [dreg:s8], $0x5FFFF  }
0xad: {  	[dreg:$0x1] =	wrdreg $0xFFFFFFFF  }
0xae: {  	[dreg:$0x0] =	wrdreg $0x60  }
0xaf: {  	[dreg:$0x2] =	wrdreg s24  }
0xb0: {  	[dreg:$0x3] =	wrdreg s18  }
0xb1: {  	[dreg:$0x4] =	wrdreg s2  }
0xb2: {  	[dreg:$0x5] =	wrdreg $0x52000  }
0xb3: {  	[dreg:$0x6] =	wrdreg $0x9  }
0xb4: {  	_ =	task.clear_ibuf [dreg:s8], $0x7FFFF;
	_ =	strace $0x90000049  }
0xb5: {  	s29 =	simm.s32 $0x9;
	_ =	strace $0x8000004B  }
0xb6: {  	_ =	swait.ge [sflag:s29], $0x1  }
0xb7: {  	[sflag:s29] =	ssyncadd.s32 $0xFFFFFFFF  }
0xb8: {  	_ =	strace $0x9000004B  }
0xb9: {  	_ =	sfence  }
0xba: {  	s30 =	sld [smem:$0x0];
	_ =	sdelay $0x2  }
0xbb: {  	s31 =	sshll.u32 s1, $0xD;
	s1 =	sshrl.u32 s1, $0x2  }
0xbc: {  	s3 =	sand.u32 $0x4000, s31;
	s1 =	sadd.s32 s1, s30  }
0xbd: {  	s0 =	sor.u32 s3, s0;
	s1 =	sshll.u32 s1, $0x11  }
0xbe: {  	s0 =	sor.u32 s1, s0  }
0xbf: {  	s0 =	sadd.s32 $0x8F2B, s0  }
0xc0: {  	[sflag:s0] =	ssyncadd.remote.s32 $0x1  }
0xc1: {  	_ =	sfence.sel $0xFFFF  }
0xc2: {  	[dreg:$0x0] =	wrdreg $0xFFFFFFFF;
	(pc) =	sbr.abs _section_cstart, $3  }
0xc3: {  	[dreg:$0x1] =	wrdreg $0xFFFFFFFF  }
0xc4: {  	_ =	task.clear_ibuf [dreg:s8], $0x2FFFF;
	_ =	strace $0x9FFFFFFF  }
0xc5: {  	(tm) =	ssettm $0x7FFFFFFF  }
tec
execute0_lowered:
.L_overlay_start_1:
0x0: {  	(tag) =	ssettag $0x1  }
0x1: {  	s0 =	rddreg [dreg:$0x0]  }
0x2: {  	s1 =	rddreg [dreg:$0x1]  }
0x3: {  	s3 =	rddreg [dreg:$0x2]  }
0x4: {  	s2 =	rddreg [dreg:$0x3]  }
0x5: {  	s4 =	srdreg.scid;
	s13 =	stileid.u32  }
0x6: {  	s4 =	sand.u32 $0x1, s4;
	s5 =	smul.u32 $0x280, s13;
	s7 =	sshll.u32 s13, $0x1  }
0x7: {  	s6 =	simm.s32 $0x0;
	s16 =	smul.u32 $0x2800, s4;
	s7 =	sor.u32 s4, s7  }
0x8: {  	[smem:$0x7FF] =	sst s6;
	s9 =	smul.u32 $0x2710, s7  }
0x9: {  	s8 =	sadd.s32 $0x9E8000, s0;
	s11 =	sadd.s32 $0xECA000, s0;
	s7 =	smul.u32 $0x27100, s7  }
0xa: {  	s24 =	smul.u32 $0x50000, s13;
	_ =	strace $0x8000004A;
	s17 =	ssub.s32 $0x2, s4  }
0xb: {  	s10 =	sshrl.u32 s17, $0x1;
	s5 =	sadd.s32 s5, s16;
	s19 =	sadd.s32 s8, s7  }
0xc: {  	s18 =	ssub.s32 s17, s10;
	s7 =	sadd.s32 s11, s7;
	[dreg:$0x5] =	wrdreg s19  }
0xd: {  	s20 =	sshrl.u32 s9, $0x3;
	s31 =	smax.u32 s18, $0x1;
	[dreg:$0x6] =	wrdreg s7  }
0xe: {  	s9 =	sadd.s32 $0x28, s9;
	s21 =	sadd.s32 s1, s20;
	[dreg:$0xe] =	wrdreg s31  }
0xf: {  	s22 =	sshll.u32 s9, $0x4;
	s6 =	sadd.s32 s3, s20;
	[dreg:$0x7] =	wrdreg s21  }
0x10: {  	s5 =	sshll.u32 s5, $0x4;
	[dreg:$0x8] =	wrdreg s6;
	s23 =	sadd.s32 s8, s22  }
0x11: {  	s25 =	sshrl.u32 s9, $0x3;
	s7 =	sadd.s32 s11, s22;
	[dreg:$0x9] =	wrdreg s23  }
0x12: {  	s0 =	sadd.s32 s5, s0;
	s29 =	sadd.s32 s1, s25;
	[dreg:$0xa] =	wrdreg s7  }
0x13: {  	s6 =	sshrl.u32 s24, $0x2;
	s0 =	sadd.s32 $0x4000, s0;
	[dreg:$0xb] =	wrdreg s29  }
0x14: {  	s7 =	sadd.s32 s3, s25;
	s12 =	sadd.s32 s6, s2;
	[dreg:$0xd] =	wrdreg s0  }
0x15: {  	[dreg:$0xc] =	wrdreg s7;
	s5 =	sadd.s32 $0x1400, s12  }
0x16: {  	s7 =	sadd.s32 $0x2800, s12;
	[dreg:$0xf] =	wrdreg s5  }
0x17: {  	s26 =	smul.u32 $0x4E20, s13;
	s9 =	sadd.s32 $0x3C00, s12;
	[dreg:$0x10] =	wrdreg s7  }
0x18: {  	s13 =	smul.u32 $0x4E200, s13;
	s10 =	sadd.s32 $0x5000, s12;
	[dreg:$0x11] =	wrdreg s9  }
0x19: {  	s30 =	smul.u32 $0x2710, s4;
	s15 =	sadd.s32 $0x6400, s12;
	[dreg:$0x12] =	wrdreg s10  }
0x1a: {  	s14 =	smul.u32 $0x27100, s4;
	s18 =	sadd.s32 $0x7800, s12;
	[dreg:$0x13] =	wrdreg s15  }
0x1b: {  	s4 =	simm.s32 $0x1;
	s21 =	sadd.s32 $0x8C00, s12;
	[dreg:$0x14] =	wrdreg s18  }
0x1c: {  	s16 =	sadd.s32 s13, s11;
	s22 =	sadd.s32 $0xA000, s12;
	[dreg:$0x15] =	wrdreg s21  }
0x1d: {  	s17 =	sadd.s32 s13, s8;
	s23 =	sadd.s32 $0xB400, s12;
	[dreg:$0x16] =	wrdreg s22  }
0x1e: {  	s13 =	simm.s32 $0x28;
	s24 =	sadd.s32 $0xC800, s12;
	[dreg:$0x17] =	wrdreg s23  }
0x1f: {  	s6 =	sadd.s32 s30, s26;
	s26 =	sadd.s32 $0xDC00, s12;
	[dreg:$0x18] =	wrdreg s24  }
0x20: {  	s8 =	simm.s32 $0x5000;
	s29 =	sadd.s32 $0xF000, s12;
	[dreg:$0x19] =	wrdreg s26  }
0x21: {  	s11 =	simm.s32 $0x5180;
	s30 =	sadd.s32 $0x10400, s12;
	[dreg:$0x1a] =	wrdreg s29  }
0x22: {  	s0 =	sadd.s32 $0x50, s6;
	s31 =	sadd.s32 $0x11800, s12;
	[dreg:$0x1b] =	wrdreg s30  }
0x23: {  	s0 =	sshrl.u32 s0, $0x3;
	[dreg:$0x1c] =	wrdreg s31;
	s7 =	simm.s32 $0x1400  }
0x24: {  	s9 =	simm.s32 $0x5080;
	s23 =	simm.s32 $0x2800;
	s24 =	simm.s32 $0x3C00  }
0x25: {  	s10 =	simm.s32 $0x5100;
	s15 =	simm.s32 $0x4;
	s18 =	simm.s32 $0x6  }
0x26: {  	s21 =	simm.s32 $0x7;
	s22 =	simm.s32 $0x0;
	s19 =	sadd.s32 s0, s3  }
0x27: {  	s20 =	sadd.s32 s0, s1;
	s1 =	sadd.s32 s14, s16;
	s0 =	sadd.s32 s14, s17  }
0x28: {  	s14 =	simm.s32 $0x3;
	s16 =	simm.s32 $0x2;
	s17 =	simm.s32 $0x5  }
0x29: {  	v0 =	vimm.f32 $0.0e+00;
	s28 =	sadd.s32 $0x500, s1;
	s25 =	sadd.s32 $0x500, s0;
	s1 =	sadd.s32 $0x12C00, s12  }
.LBB2_1:
0x2a: {  	s5 =	simm.s32 $0x0;
	s6 =	simm.s32 $0x200  }
.LBB2_2:
0x2b: {  	p0 =	sne.s32 s6, $0x4E00;
	[tilespmem:s5+$0x70] =	vst v0  }
0x2c: {  	[tilespmem:s5+$0x0] =	vst v0  }
0x2d: {  	[tilespmem:s5+$0x10] =	vst v0  }
.Ltmp0:
0x2e: {  	[tilespmem:s5+$0x20] =	vst v0;
	(pc) =	sbr.rel @p0 .LBB2_2-.Ltmp0, $4  }
0x2f: {  	[tilespmem:s5+$0x30] =	vst v0  }
0x30: {  	[tilespmem:s5+$0x40] =	vst v0  }
0x31: {  	[tilespmem:s5+$0x50] =	vst v0  }
0x32: {  	[tilespmem:s5+$0x60] =	vst v0;
	s5 =	sshra.s32 s6, $0x2;
	s6 =	sadd.s32 $0x200, s6  }
0x33: {  	[tilespmem:s5+$0x70] =	vst v0  }
0x34: {  	[tilespmem:s5+$0x0] =	vst v0  }
0x35: {  	[tilespmem:s5+$0x10] =	vst v0  }
0x36: {  	[tilespmem:s5+$0x20] =	vst v0  }
0x37: {  	[tilespmem:s5+$0x30] =	vst v0  }
0x38: {  	[tilespmem:s5+$0x40] =	vst v0  }
0x39: {  	[tilespmem:s5+$0x50] =	vst v0  }
0x3a: {  	[tilespmem:s5+$0x60] =	vst v0;
	s5 =	simm.s32 $0x0  }
0x3b: {  	[spmem:s12] =	stream.linear.scatter [tilespmem:s5], [sflag:$0x1], $0x1400, $0x38;
	[tilespmem:$0x19200] =	vst v63  }
0x3c: {  	s0 =	rddreg [dreg:$0xf]  }
0x3d: {  	[spmem:s0] =	stream.linear.scatter [tilespmem:s5], [sflag:$0x1], $0x1400, $0x38;
	[tilespmem:$0x19200] =	vst v63  }
0x3e: {  	s30 =	rddreg [dreg:$0x10]  }
0x3f: {  	[spmem:s30] =	stream.linear.scatter [tilespmem:s5], [sflag:$0x1], $0x1400, $0x38;
	[tilespmem:$0x19200] =	vst v63  }
0x40: {  	s3 =	rddreg [dreg:$0x11]  }
0x41: {  	[spmem:s3] =	stream.linear.scatter [tilespmem:s5], [sflag:$0x1], $0x1400, $0x38;
	[tilespmem:$0x19200] =	vst v63  }
0x42: {  	s6 =	rddreg [dreg:$0x12]  }
0x43: {  	[spmem:s6] =	stream.linear.scatter [tilespmem:s5], [sflag:$0x1], $0x1400, $0x38;
	[tilespmem:$0x19200] =	vst v63  }
0x44: {  	s26 =	rddreg [dreg:$0x13]  }
0x45: {  	[spmem:s26] =	stream.linear.scatter [tilespmem:s5], [sflag:$0x1], $0x1400, $0x38;
	[tilespmem:$0x19200] =	vst v63  }
0x46: {  	s30 =	rddreg [dreg:$0x14]  }
0x47: {  	[spmem:s30] =	stream.linear.scatter [tilespmem:s5], [sflag:$0x1], $0x1400, $0x38;
	[tilespmem:$0x19200] =	vst v63  }
0x48: {  	s3 =	rddreg [dreg:$0x15]  }
0x49: {  	[spmem:s3] =	stream.linear.scatter [tilespmem:s5], [sflag:$0x1], $0x1400, $0x38;
	[tilespmem:$0x19200] =	vst v63  }
0x4a: {  	s6 =	rddreg [dreg:$0x16]  }
0x4b: {  	[spmem:s6] =	stream.linear.scatter [tilespmem:s5], [sflag:$0x1], $0x1400, $0x38;
	[tilespmem:$0x19200] =	vst v63  }
0x4c: {  	s26 =	rddreg [dreg:$0x17]  }
0x4d: {  	[spmem:s26] =	stream.linear.scatter [tilespmem:s5], [sflag:$0x1], $0x1400, $0x38;
	[tilespmem:$0x19200] =	vst v63  }
0x4e: {  	s30 =	rddreg [dreg:$0x18]  }
0x4f: {  	[spmem:s30] =	stream.linear.scatter [tilespmem:s5], [sflag:$0x1], $0x1400, $0x38;
	[tilespmem:$0x19200] =	vst v63  }
0x50: {  	s3 =	rddreg [dreg:$0x19]  }
0x51: {  	[spmem:s3] =	stream.linear.scatter [tilespmem:s5], [sflag:$0x1], $0x1400, $0x38;
	[tilespmem:$0x19200] =	vst v63  }
0x52: {  	s6 =	rddreg [dreg:$0x1a]  }
0x53: {  	[spmem:s6] =	stream.linear.scatter [tilespmem:s5], [sflag:$0x1], $0x1400, $0x38;
	[tilespmem:$0x19200] =	vst v63  }
0x54: {  	s26 =	rddreg [dreg:$0x1b]  }
0x55: {  	[spmem:s26] =	stream.linear.scatter [tilespmem:s5], [sflag:$0x1], $0x1400, $0x38;
	[tilespmem:$0x19200] =	vst v63  }
0x56: {  	s30 =	rddreg [dreg:$0x1c]  }
0x57: {  	[spmem:s30] =	stream.linear.scatter [tilespmem:s5], [sflag:$0x1], $0x1400, $0x38;
	[tilespmem:$0x19200] =	vst v63  }
0x58: {  	_ = 	snop  }
0x59: {  	[spmem:s1] =	stream.linear.scatter [tilespmem:s5], [sflag:$0x1], $0x1400, $0x38;
	[tilespmem:$0x19200] =	vst v63  }
0x5a: {  	_ =	swait.ge [sflag:s4], $0x1400  }
0x5b: {  	[sflag:s4] =	ssyncset.done $0x0  }
0x5c: {  	[sflag:s4] =	ssyncadd.s32 $0xFFFFEC00  }
0x5d: {  	_ =	swait.ge [sflag:s4], $0x1400  }
0x5e: {  	[sflag:s4] =	ssyncset.done $0x0  }
0x5f: {  	[sflag:s4] =	ssyncadd.s32 $0xFFFFEC00  }
0x60: {  	_ =	swait.ge [sflag:s4], $0x1400  }
0x61: {  	[sflag:s4] =	ssyncset.done $0x0  }
0x62: {  	[sflag:s4] =	ssyncadd.s32 $0xFFFFEC00  }
0x63: {  	_ =	swait.ge [sflag:s4], $0x1400  }
0x64: {  	[sflag:s4] =	ssyncset.done $0x0  }
0x65: {  	[sflag:s4] =	ssyncadd.s32 $0xFFFFEC00  }
0x66: {  	_ =	swait.ge [sflag:s4], $0x1400  }
0x67: {  	[sflag:s4] =	ssyncset.done $0x0  }
0x68: {  	[sflag:s4] =	ssyncadd.s32 $0xFFFFEC00  }
0x69: {  	_ =	swait.ge [sflag:s4], $0x1400  }
0x6a: {  	[sflag:s4] =	ssyncset.done $0x0  }
0x6b: {  	[sflag:s4] =	ssyncadd.s32 $0xFFFFEC00  }
0x6c: {  	_ =	swait.ge [sflag:s4], $0x1400  }
0x6d: {  	[sflag:s4] =	ssyncset.done $0x0  }
0x6e: {  	[sflag:s4] =	ssyncadd.s32 $0xFFFFEC00  }
0x6f: {  	_ =	swait.ge [sflag:s4], $0x1400  }
0x70: {  	[sflag:s4] =	ssyncset.done $0x0  }
0x71: {  	[sflag:s4] =	ssyncadd.s32 $0xFFFFEC00  }
0x72: {  	_ =	swait.ge [sflag:s4], $0x1400  }
0x73: {  	[sflag:s4] =	ssyncset.done $0x0  }
0x74: {  	[sflag:s4] =	ssyncadd.s32 $0xFFFFEC00  }
0x75: {  	_ =	swait.ge [sflag:s4], $0x1400  }
0x76: {  	[sflag:s4] =	ssyncset.done $0x0  }
0x77: {  	[sflag:s4] =	ssyncadd.s32 $0xFFFFEC00  }
0x78: {  	_ =	swait.ge [sflag:s4], $0x1400  }
0x79: {  	[sflag:s4] =	ssyncset.done $0x0  }
0x7a: {  	[sflag:s4] =	ssyncadd.s32 $0xFFFFEC00  }
0x7b: {  	_ =	swait.ge [sflag:s4], $0x1400  }
0x7c: {  	[sflag:s4] =	ssyncset.done $0x0  }
0x7d: {  	[sflag:s4] =	ssyncadd.s32 $0xFFFFEC00  }
0x7e: {  	_ =	swait.ge [sflag:s4], $0x1400  }
0x7f: {  	[sflag:s4] =	ssyncset.done $0x0  }
0x80: {  	[sflag:s4] =	ssyncadd.s32 $0xFFFFEC00  }
0x81: {  	_ =	swait.ge [sflag:s4], $0x1400  }
0x82: {  	[sflag:s4] =	ssyncset.done $0x0  }
0x83: {  	[sflag:s4] =	ssyncadd.s32 $0xFFFFEC00  }
0x84: {  	_ =	swait.ge [sflag:s4], $0x1400  }
0x85: {  	[sflag:s4] =	ssyncset.done $0x0  }
0x86: {  	[sflag:s4] =	ssyncadd.s32 $0xFFFFEC00  }
0x87: {  	_ =	swait.ge [sflag:s4], $0x1400  }
0x88: {  	[sflag:s4] =	ssyncset.done $0x0  }
0x89: {  	[sflag:s4] =	ssyncadd.s32 $0xFFFFEC00  }
0x8a: {  	[bflag:$0x0] =	sbarrier.arrive $0xFFFF  }
0x8b: {  	s3 =	rddreg [dreg:$0x5]  }
0x8c: {  	[tilespmem:s5], [sflag:$0x1] =	stream.linear.gather [hbm4b:s3+s5], $0x1400, $0x38;
	[tilespmem:$0x19200] =	vst v63  }
0x8d: {  	s6 =	rddreg [dreg:$0x6]  }
0x8e: {  	[tilespmem:s7], [sflag:$0x1] =	stream.linear.gather [hbm4b:s6+s5], $0x1400, $0x38;
	[tilespmem:$0x19200] =	vst v63  }
0x8f: {  	s7 =	rddreg [dreg:$0x7]  }
0x90: {  	[tilespmem:s8], [sflag:$0x1] =	stream.linear.gather [hbm4b:s7+s5], $0x28, $0x38;
	[tilespmem:$0x19200] =	vst v63  }
0x91: {  	s8 =	rddreg [dreg:$0x8]  }
0x92: {  	[tilespmem:s9], [sflag:$0x1] =	stream.linear.gather [hbm4b:s8+s5], $0x28, $0x38;
	[tilespmem:$0x19200] =	vst v63  }
0x93: {  	s9 =	rddreg [dreg:$0x9]  }
0x94: {  	[tilespmem:s23], [sflag:$0x2] =	stream.linear.gather [hbm4b:s9+s5], $0x1400, $0x38;
	[tilespmem:$0x19200] =	vst v63  }
0x95: {  	s23 =	rddreg [dreg:$0xa]  }
0x96: {  	[tilespmem:s24], [sflag:$0x2] =	stream.linear.gather [hbm4b:s23+s5], $0x1400, $0x38;
	[tilespmem:$0x19200] =	vst v63  }
0x97: {  	s26 =	rddreg [dreg:$0xb]  }
0x98: {  	[tilespmem:s10], [sflag:$0x2] =	stream.linear.gather [hbm4b:s26+s5], $0x28, $0x38;
	[tilespmem:$0x19200] =	vst v63  }
0x99: {  	s30 =	rddreg [dreg:$0xc]  }
0x9a: {  	[tilespmem:s11], [sflag:$0x2] =	stream.linear.gather [hbm4b:s30+s5], $0x28, $0x38;
	[tilespmem:$0x19200] =	vst v63  }
0x9b: {  	s5 =	sand.u32 $0x1, s5  }
0x9c: {  	p1 =	seq.s32 s5, $0x1  }
0x9d: {  	s5 =	simm.s32 @p1 $0x2  }
0x9e: {  	p0 =	por p1, p1;
	_ =	swait.ge @p1 [sflag:s5], $0x1400  }
0x9f: {  	[sflag:s5] =	ssyncset.done @p0 $0x0  }
0xa0: {  	[sflag:s5] =	ssyncadd.s32 @p0 $0xFFFFEC00  }
0xa1: {  	_ =	swait.ge @p0 [sflag:s5], $0x1400  }
0xa2: {  	[sflag:s5] =	ssyncset.done @p0 $0x0  }
0xa3: {  	[sflag:s5] =	ssyncadd.s32 @p0 $0xFFFFEC00  }
0xa4: {  	_ =	swait.ge @p0 [sflag:s5], $0x28  }
0xa5: {  	[sflag:s5] =	ssyncset.done @p0 $0x0  }
0xa6: {  	[sflag:s5] =	ssyncadd.s32 @p0 $0xFFFFFFD8  }
0xa7: {  	_ =	swait.ge @p0 [sflag:s5], $0x28  }
0xa8: {  	s6 =	simm.s32 @p0 $0x2800;
	[sflag:s5] =	ssyncset.done @p0 $0x0  }
0xa9: {  	s7 =	simm.s32 @p0 $0x5100;
	[sflag:s5] =	ssyncadd.s32 @p0 $0xFFFFFFD8;
	s5 =	simm.s32 @p0 $0x28  }
0xaa: {  	[spmem:s2] =	stream.indirect.scatter.add.f32 @p0 [tilespmem:s6], [sflag:$0x5], $0x80, s7, s5, $0xb8;
	[tilespmem:$0x19200] =	vst v63  }
0xab: {  	s8 =	simm.s32 @p0 $0x5180;
	s23 =	simm.s32 @p0 $0x3C00;
	s24 =	simm.s32 @p0 $0x5  }
0xac: {  	[spmem:s2] =	stream.indirect.scatter.add.f32 @p0 [tilespmem:s23], [sflag:$0x6], $0x80, s8, s5, $0xb8;
	[tilespmem:$0x19200] =	vst v63  }
0xad: {  	_ =	swait.ge @p0 [sflag:s24], $0x1400  }
0xae: {  	[sflag:s24] =	ssyncset.done @p0 $0x0  }
0xaf: {  	s5 =	simm.s32 @p0 $0x6;
	[sflag:s24] =	ssyncadd.s32 @p0 $0xFFFFEC00  }
0xb0: {  	_ =	swait.ge @p0 [sflag:s5], $0x1400  }
0xb1: {  	[sflag:s5] =	ssyncset.done @p0 $0x0  }
0xb2: {  	[sflag:s5] =	ssyncadd.s32 @p0 $0xFFFFEC00;
	s5 =	simm.s32 @p0 $0x0  }
0xb3: {  	[tilespmem:s6], [sflag:$0x2] =	stream.linear.gather @p0 [hbm4b:s25+s5], $0x1400, $0x38;
	[tilespmem:$0x19200] =	vst v63  }
0xb4: {  	_ = 	snop  }
0xb5: {  	[tilespmem:s23], [sflag:$0x2] =	stream.linear.gather @p0 [hbm4b:s28+s5], $0x1400, $0x38;
	[tilespmem:$0x19200] =	vst v63  }
0xb6: {  	s6 =	sadd.s32 @p0 $0x0, s20  }
0xb7: {  	[tilespmem:s7], [sflag:$0x2] =	stream.linear.gather @p0 [hbm4b:s6+s5], $0x28, $0x38;
	[tilespmem:$0x19200] =	vst v63  }
0xb8: {  	s23 =	simm.s32 @!p0 $0x1;
	s6 =	sadd.s32 @p0 $0x0, s19  }
0xb9: {  	[tilespmem:s8], [sflag:$0x2] =	stream.linear.gather @p0 [hbm4b:s6+s5], $0x28, $0x38;
	[tilespmem:$0x19200] =	vst v63  }
0xba: {  	_ =	swait.ge @!p0 [sflag:s23], $0x1400  }
0xbb: {  	[sflag:s23] =	ssyncset.done @!p0 $0x0  }
0xbc: {  	[sflag:s23] =	ssyncadd.s32 @!p0 $0xFFFFEC00  }
0xbd: {  	_ =	swait.ge @!p0 [sflag:s23], $0x1400  }
0xbe: {  	[sflag:s23] =	ssyncset.done @!p0 $0x0  }
0xbf: {  	[sflag:s23] =	ssyncadd.s32 @!p0 $0xFFFFEC00  }
0xc0: {  	_ =	swait.ge @!p0 [sflag:s23], $0x28  }
0xc1: {  	[sflag:s23] =	ssyncset.done @!p0 $0x0  }
0xc2: {  	[sflag:s23] =	ssyncadd.s32 @!p0 $0xFFFFFFD8  }
0xc3: {  	_ =	swait.ge @!p0 [sflag:s23], $0x28  }
0xc4: {  	s7 =	simm.s32 @!p0 $0x0;
	[sflag:s23] =	ssyncset.done @!p0 $0x0  }
0xc5: {  	s5 =	simm.s32 @!p0 $0x28;
	s6 =	simm.s32 @!p0 $0x5000;
	[sflag:s23] =	ssyncadd.s32 @!p0 $0xFFFFFFD8  }
0xc6: {  	[spmem:s2] =	stream.indirect.scatter.add.f32 @!p0 [tilespmem:s7], [sflag:$0x3], $0x80, s6, s5, $0xb8;
	[tilespmem:$0x19200] =	vst v63  }
0xc7: {  	s31 =	simm.s32 @!p0 $0x5080;
	s8 =	simm.s32 @!p0 $0x1400;
	s23 =	simm.s32 @!p0 $0x3  }
0xc8: {  	[spmem:s2] =	stream.indirect.scatter.add.f32 @!p0 [tilespmem:s8], [sflag:$0x4], $0x80, s31, s5, $0xb8;
	[tilespmem:$0x19200] =	vst v63  }
0xc9: {  	_ =	swait.ge @!p0 [sflag:s23], $0x1400  }
0xca: {  	[sflag:s23] =	ssyncset.done @!p0 $0x0  }
0xcb: {  	s5 =	simm.s32 @!p0 $0x4;
	[sflag:s23] =	ssyncadd.s32 @!p0 $0xFFFFEC00  }
0xcc: {  	_ =	swait.ge @!p0 [sflag:s5], $0x1400  }
0xcd: {  	[sflag:s5] =	ssyncset.done @!p0 $0x0  }
0xce: {  	[sflag:s5] =	ssyncadd.s32 @!p0 $0xFFFFEC00  }
0xcf: {  	[tilespmem:s7], [sflag:$0x1] =	stream.linear.gather @!p0 [hbm4b:s25+s7], $0x1400, $0x38;
	[tilespmem:$0x19200] =	vst v63  }
0xd0: {  	s29 =	simm.s32 $0x1;
	s26 =	sadd.s32 $0x280, s25  }
0xd1: {  	[tilespmem:s8], [sflag:$0x1] =	stream.linear.gather @!p0 [hbm4b:s28+s7], $0x1400, $0x38;
	[tilespmem:$0x19200] =	vst v63  }
0xd2: {  	s24 =	smov.u32 s28;
	s23 =	simm.s32 $0x5;
	s5 =	sadd.s32 @!p0 $0x0, s20  }
0xd3: {  	[tilespmem:s6], [sflag:$0x1] =	stream.linear.gather @!p0 [hbm4b:s5+s7], $0x28, $0x38;
	[tilespmem:$0x19200] =	vst v63  }
0xd4: {  	s8 =	sand.u32 $0x1, s29;
	s5 =	sadd.s32 @!p1 $0x0, s19;
	s6 =	simm.s32 $0xA  }
.LBB2_4:
0xd5: {  	p2 =	seq.s32 s8, $0x1;
	s24 =	sadd.s32 $0x280, s24  }
0xd6: {  	s30 =	smov.u32 s23;
	s23 =	smov.u32 s6;
	s6 =	sadd.s32 $0x5, s6  }
0xd7: {  	p1 =	sne.s32 s6, $0x4D8;
	s8 =	simm.s32 @p2 $0x2;
	s0 =	sadd.s32 @!p2 s30, s19  }
0xd8: {  	[tilespmem:s31], [sflag:$0x1] =	stream.linear.gather @!p0 [hbm4b:s5+s7], $0x28, $0x38;
	[tilespmem:$0x19200] =	vst v63  }
0xd9: {  	s5 =	smov.u32 s0;
	p0 =	por p2, p2;
	_ =	swait.ge @p2 [sflag:s8], $0x1400  }
0xda: {  	[sflag:s8] =	ssyncset.done @p0 $0x0  }
0xdb: {  	[sflag:s8] =	ssyncadd.s32 @p0 $0xFFFFEC00  }
0xdc: {  	_ =	swait.ge @p0 [sflag:s8], $0x1400  }
0xdd: {  	[sflag:s8] =	ssyncset.done @p0 $0x0  }
0xde: {  	[sflag:s8] =	ssyncadd.s32 @p0 $0xFFFFEC00  }
0xdf: {  	_ =	swait.ge @p0 [sflag:s8], $0x28  }
0xe0: {  	[sflag:s8] =	ssyncset.done @p0 $0x0  }
0xe1: {  	[sflag:s8] =	ssyncadd.s32 @p0 $0xFFFFFFD8  }
0xe2: {  	_ =	swait.ge @p0 [sflag:s8], $0x28  }
0xe3: {  	s0 =	simm.s32 @p0 $0x2800;
	[sflag:s8] =	ssyncset.done @p0 $0x0  }
0xe4: {  	s7 =	simm.s32 @p0 $0x28;
	[sflag:s8] =	ssyncadd.s32 @p0 $0xFFFFFFD8;
	s8 =	simm.s32 @p0 $0x5100  }
0xe5: {  	[spmem:s2] =	stream.indirect.scatter.add.f32 @p0 [tilespmem:s0], [sflag:$0x5], $0x80, s8, s7, $0xb8;
	[tilespmem:$0x19200] =	vst v63  }
0xe6: {  	s31 =	simm.s32 @p0 $0x5180;
	s9 =	simm.s32 @p0 $0x3C00;
	s3 =	simm.s32 @p0 $0x5  }
0xe7: {  	[spmem:s2] =	stream.indirect.scatter.add.f32 @p0 [tilespmem:s9], [sflag:$0x6], $0x80, s31, s7, $0xb8;
	[tilespmem:$0x19200] =	vst v63  }
0xe8: {  	_ =	swait.ge @p0 [sflag:s3], $0x1400  }
0xe9: {  	[sflag:s3] =	ssyncset.done @p0 $0x0  }
0xea: {  	[sflag:s3] =	ssyncadd.s32 @p0 $0xFFFFEC00;
	s3 =	simm.s32 @p0 $0x6  }
0xeb: {  	_ =	swait.ge @p0 [sflag:s3], $0x1400  }
0xec: {  	[sflag:s3] =	ssyncset.done @p0 $0x0  }
0xed: {  	[sflag:s3] =	ssyncadd.s32 @p0 $0xFFFFEC00;
	s3 =	simm.s32 @p0 $0x0  }
0xee: {  	[tilespmem:s0], [sflag:$0x2] =	stream.linear.gather @p0 [hbm4b:s26+s3], $0x1400, $0x38;
	[tilespmem:$0x19200] =	vst v63  }
0xef: {  	_ = 	snop  }
0xf0: {  	[tilespmem:s9], [sflag:$0x2] =	stream.linear.gather @p0 [hbm4b:s24+s3], $0x1400, $0x38;
	[tilespmem:$0x19200] =	vst v63  }
0xf1: {  	s0 =	sadd.s32 @p0 s30, s20  }
0xf2: {  	[tilespmem:s8], [sflag:$0x2] =	stream.linear.gather @p0 [hbm4b:s0+s3], $0x28, $0x38;
	[tilespmem:$0x19200] =	vst v63  }
0xf3: {  	s0 =	sadd.s32 @p0 s30, s19;
	s8 =	simm.s32 @!p0 $0x1  }
0xf4: {  	[tilespmem:s31], [sflag:$0x2] =	stream.linear.gather @p0 [hbm4b:s0+s3], $0x28, $0x38;
	[tilespmem:$0x19200] =	vst v63  }
0xf5: {  	_ =	swait.ge @!p0 [sflag:s8], $0x1400  }
0xf6: {  	[sflag:s8] =	ssyncset.done @!p0 $0x0  }
0xf7: {  	[sflag:s8] =	ssyncadd.s32 @!p0 $0xFFFFEC00  }
0xf8: {  	_ =	swait.ge @!p0 [sflag:s8], $0x1400  }
0xf9: {  	[sflag:s8] =	ssyncset.done @!p0 $0x0  }
0xfa: {  	[sflag:s8] =	ssyncadd.s32 @!p0 $0xFFFFEC00  }
0xfb: {  	_ =	swait.ge @!p0 [sflag:s8], $0x28  }
0xfc: {  	[sflag:s8] =	ssyncset.done @!p0 $0x0  }
0xfd: {  	[sflag:s8] =	ssyncadd.s32 @!p0 $0xFFFFFFD8  }
0xfe: {  	_ =	swait.ge @!p0 [sflag:s8], $0x28  }
0xff: {  	s7 =	simm.s32 @!p0 $0x0;
	[sflag:s8] =	ssyncset.done @!p0 $0x0  }
0x100: {  	s0 =	simm.s32 @!p0 $0x28;
	s3 =	simm.s32 @!p0 $0x5000;
	[sflag:s8] =	ssyncadd.s32 @!p0 $0xFFFFFFD8  }
0x101: {  	[spmem:s2] =	stream.indirect.scatter.add.f32 @!p0 [tilespmem:s7], [sflag:$0x3], $0x80, s3, s0, $0xb8;
	[tilespmem:$0x19200] =	vst v63  }
0x102: {  	s9 =	simm.s32 @!p0 $0x3;
	s31 =	simm.s32 @!p0 $0x5080;
	s8 =	simm.s32 @!p0 $0x1400  }
0x103: {  	[spmem:s2] =	stream.indirect.scatter.add.f32 @!p0 [tilespmem:s8], [sflag:$0x4], $0x80, s31, s0, $0xb8;
	[tilespmem:$0x19200] =	vst v63  }
0x104: {  	_ =	swait.ge @!p0 [sflag:s9], $0x1400  }
0x105: {  	[sflag:s9] =	ssyncset.done @!p0 $0x0  }
0x106: {  	s0 =	simm.s32 @!p0 $0x4;
	[sflag:s9] =	ssyncadd.s32 @!p0 $0xFFFFEC00  }
0x107: {  	_ =	swait.ge @!p0 [sflag:s0], $0x1400  }
0x108: {  	[sflag:s0] =	ssyncset.done @!p0 $0x0  }
0x109: {  	[sflag:s0] =	ssyncadd.s32 @!p0 $0xFFFFEC00  }
0x10a: {  	[tilespmem:s7], [sflag:$0x1] =	stream.linear.gather @!p0 [hbm4b:s26+s7], $0x1400, $0x38;
	[tilespmem:$0x19200] =	vst v63  }
.Ltmp1:
0x10b: {  	_ = 	snop;
	(pc) =	sbr.rel @p1 .LBB2_4-.Ltmp1, $4  }
0x10c: {  	s29 =	sadd.s32 $0x1, s29  }
0x10d: {  	[tilespmem:s8], [sflag:$0x1] =	stream.linear.gather @!p0 [hbm4b:s24+s7], $0x1400, $0x38;
	[tilespmem:$0x19200] =	vst v63  }
0x10e: {  	s0 =	sadd.s32 @!p0 s30, s20;
	s26 =	sadd.s32 $0x280, s26;
	s8 =	sand.u32 $0x1, s29  }
0x10f: {  	[tilespmem:s3], [sflag:$0x1] =	stream.linear.gather @!p0 [hbm4b:s0+s7], $0x28, $0x38;
	[tilespmem:$0x19200] =	vst v63  }
0x110: {  	p1 =	seq.s32 s8, $0x1  }
0x111: {  	[tilespmem:s31], [sflag:$0x1] =	stream.linear.gather @!p0 [hbm4b:s5+s7], $0x28, $0x38;
	[tilespmem:$0x19200] =	vst v63  }
0x112: {  	s0 =	simm.s32 @p1 $0x2  }
0x113: {  	p0 =	por p1, p1;
	_ =	swait.ge @p1 [sflag:s0], $0x1400  }
0x114: {  	[sflag:s0] =	ssyncset.done @p0 $0x0  }
0x115: {  	[sflag:s0] =	ssyncadd.s32 @p0 $0xFFFFEC00  }
0x116: {  	_ =	swait.ge @p0 [sflag:s0], $0x1400  }
0x117: {  	[sflag:s0] =	ssyncset.done @p0 $0x0  }
0x118: {  	[sflag:s0] =	ssyncadd.s32 @p0 $0xFFFFEC00  }
0x119: {  	_ =	swait.ge @p0 [sflag:s0], $0x28  }
0x11a: {  	[sflag:s0] =	ssyncset.done @p0 $0x0  }
0x11b: {  	[sflag:s0] =	ssyncadd.s32 @p0 $0xFFFFFFD8  }
0x11c: {  	_ =	swait.ge @p0 [sflag:s0], $0x28  }
0x11d: {  	s3 =	simm.s32 @p0 $0x2800;
	[sflag:s0] =	ssyncset.done @p0 $0x0  }
0x11e: {  	s5 =	simm.s32 @p0 $0x5100;
	[sflag:s0] =	ssyncadd.s32 @p0 $0xFFFFFFD8;
	s0 =	simm.s32 @p0 $0x28  }
0x11f: {  	[spmem:s2] =	stream.indirect.scatter.add.f32 @p0 [tilespmem:s3], [sflag:$0x5], $0x80, s5, s0, $0xb8;
	[tilespmem:$0x19200] =	vst v63  }
0x120: {  	s6 =	simm.s32 @p0 $0x5180;
	s7 =	simm.s32 @p0 $0x3C00  }
0x121: {  	[spmem:s2] =	stream.indirect.scatter.add.f32 @p0 [tilespmem:s7], [sflag:$0x6], $0x80, s6, s0, $0xb8;
	[tilespmem:$0x19200] =	vst v63  }
0x122: {  	s0 =	simm.s32 @p0 $0x5  }
0x123: {  	_ =	swait.ge @p0 [sflag:s0], $0x1400  }
0x124: {  	[sflag:s0] =	ssyncset.done @p0 $0x0  }
0x125: {  	[sflag:s0] =	ssyncadd.s32 @p0 $0xFFFFEC00;
	s0 =	simm.s32 @p0 $0x6  }
0x126: {  	_ =	swait.ge @p0 [sflag:s0], $0x1400  }
0x127: {  	[sflag:s0] =	ssyncset.done @p0 $0x0  }
0x128: {  	[sflag:s0] =	ssyncadd.s32 @p0 $0xFFFFEC00;
	s0 =	simm.s32 @p0 $0x0  }
0x129: {  	[tilespmem:s3], [sflag:$0x2] =	stream.linear.gather @p0 [hbm4b:s26+s0], $0x1400, $0x38;
	[tilespmem:$0x19200] =	vst v63  }
0x12a: {  	s3 =	sadd.s32 $0x280, s24  }
0x12b: {  	[tilespmem:s7], [sflag:$0x2] =	stream.linear.gather @p0 [hbm4b:s3+s0], $0x1400, $0x38;
	[tilespmem:$0x19200] =	vst v63  }
0x12c: {  	s7 =	sadd.s32 @p0 s23, s20  }
0x12d: {  	[tilespmem:s5], [sflag:$0x2] =	stream.linear.gather @p0 [hbm4b:s7+s0], $0x28, $0x38;
	[tilespmem:$0x19200] =	vst v63  }
0x12e: {  	s5 =	sadd.s32 @p0 s23, s19;
	s7 =	simm.s32 @!p0 $0x1  }
0x12f: {  	[tilespmem:s6], [sflag:$0x2] =	stream.linear.gather @p0 [hbm4b:s5+s0], $0x28, $0x38;
	[tilespmem:$0x19200] =	vst v63  }
0x130: {  	_ =	swait.ge @!p0 [sflag:s7], $0x1400  }
0x131: {  	[sflag:s7] =	ssyncset.done @!p0 $0x0  }
0x132: {  	[sflag:s7] =	ssyncadd.s32 @!p0 $0xFFFFEC00  }
0x133: {  	_ =	swait.ge @!p0 [sflag:s7], $0x1400  }
0x134: {  	[sflag:s7] =	ssyncset.done @!p0 $0x0  }
0x135: {  	[sflag:s7] =	ssyncadd.s32 @!p0 $0xFFFFEC00  }
0x136: {  	_ =	swait.ge @!p0 [sflag:s7], $0x28  }
0x137: {  	[sflag:s7] =	ssyncset.done @!p0 $0x0  }
0x138: {  	[sflag:s7] =	ssyncadd.s32 @!p0 $0xFFFFFFD8  }
0x139: {  	_ =	swait.ge @!p0 [sflag:s7], $0x28  }
0x13a: {  	s0 =	simm.s32 @!p0 $0x0;
	[sflag:s7] =	ssyncset.done @!p0 $0x0  }
0x13b: {  	s5 =	simm.s32 @!p0 $0x28;
	s6 =	simm.s32 @!p0 $0x5000;
	[sflag:s7] =	ssyncadd.s32 @!p0 $0xFFFFFFD8  }
0x13c: {  	[spmem:s2] =	stream.indirect.scatter.add.f32 @!p0 [tilespmem:s0], [sflag:$0x3], $0x80, s6, s5, $0xb8;
	[tilespmem:$0x19200] =	vst v63  }
0x13d: {  	s8 =	simm.s32 @!p0 $0x1400;
	s7 =	simm.s32 @!p0 $0x5080  }
0x13e: {  	[spmem:s2] =	stream.indirect.scatter.add.f32 @!p0 [tilespmem:s8], [sflag:$0x4], $0x80, s7, s5, $0xb8;
	[tilespmem:$0x19200] =	vst v63  }
0x13f: {  	s5 =	simm.s32 @!p0 $0x3  }
0x140: {  	_ =	swait.ge @!p0 [sflag:s5], $0x1400  }
0x141: {  	[sflag:s5] =	ssyncset.done @!p0 $0x0  }
0x142: {  	[sflag:s5] =	ssyncadd.s32 @!p0 $0xFFFFEC00;
	s5 =	simm.s32 @!p0 $0x4  }
0x143: {  	_ =	swait.ge @!p0 [sflag:s5], $0x1400  }
0x144: {  	[sflag:s5] =	ssyncset.done @!p0 $0x0  }
0x145: {  	[sflag:s5] =	ssyncadd.s32 @!p0 $0xFFFFEC00  }
0x146: {  	[tilespmem:s0], [sflag:$0x1] =	stream.linear.gather @!p0 [hbm4b:s26+s0], $0x1400, $0x38;
	[tilespmem:$0x19200] =	vst v63  }
0x147: {  	_ = 	snop  }
0x148: {  	[tilespmem:s8], [sflag:$0x1] =	stream.linear.gather @!p0 [hbm4b:s3+s0], $0x1400, $0x38;
	[tilespmem:$0x19200] =	vst v63  }
0x149: {  	s3 =	sadd.s32 @!p0 s23, s20  }
0x14a: {  	[tilespmem:s6], [sflag:$0x1] =	stream.linear.gather @!p0 [hbm4b:s3+s0], $0x28, $0x38;
	[tilespmem:$0x19200] =	vst v63  }
0x14b: {  	s3 =	sadd.s32 @!p1 s23, s19  }
0x14c: {  	[tilespmem:s7], [sflag:$0x1] =	stream.linear.gather @!p0 [hbm4b:s3+s0], $0x28, $0x38;
	[tilespmem:$0x19200] =	vst v63  }
0x14d: {  	_ =	swait.ge [sflag:s4], $0x1400  }
0x14e: {  	[sflag:s4] =	ssyncset.done $0x0  }
0x14f: {  	[sflag:s4] =	ssyncadd.s32 $0xFFFFEC00  }
0x150: {  	_ =	swait.ge [sflag:s4], $0x1400  }
0x151: {  	[sflag:s4] =	ssyncset.done $0x0  }
0x152: {  	[sflag:s4] =	ssyncadd.s32 $0xFFFFEC00  }
0x153: {  	_ =	swait.ge [sflag:s4], $0x28  }
0x154: {  	[sflag:s4] =	ssyncset.done $0x0  }
0x155: {  	[sflag:s4] =	ssyncadd.s32 $0xFFFFFFD8  }
0x156: {  	_ =	swait.ge [sflag:s4], $0x28  }
0x157: {  	[sflag:s4] =	ssyncset.done $0x0  }
0x158: {  	s24 =	simm.s32 $0x0;
	s8 =	simm.s32 $0x5000;
	[sflag:s4] =	ssyncadd.s32 $0xFFFFFFD8  }
0x159: {  	[spmem:s2] =	stream.indirect.scatter.add.f32 [tilespmem:s24], [sflag:$0x3], $0x80, s8, s13, $0xb8;
	[tilespmem:$0x19200] =	vst v63  }
0x15a: {  	s9 =	simm.s32 $0x5080;
	s7 =	simm.s32 $0x1400  }
0x15b: {  	[spmem:s2] =	stream.indirect.scatter.add.f32 [tilespmem:s7], [sflag:$0x4], $0x80, s9, s13, $0xb8;
	[tilespmem:$0x19200] =	vst v63  }
0x15c: {  	_ =	swait.ge [sflag:s14], $0x1400  }
0x15d: {  	[sflag:s14] =	ssyncset.done $0x0  }
0x15e: {  	[sflag:s14] =	ssyncadd.s32 $0xFFFFEC00  }
0x15f: {  	_ =	swait.ge [sflag:s15], $0x1400  }
0x160: {  	[sflag:s15] =	ssyncset.done $0x0  }
0x161: {  	[sflag:s15] =	ssyncadd.s32 $0xFFFFEC00  }
0x162: {  	_ =	swait.ge [sflag:s16], $0x1400  }
0x163: {  	[sflag:s16] =	ssyncset.done $0x0  }
0x164: {  	[sflag:s16] =	ssyncadd.s32 $0xFFFFEC00  }
0x165: {  	_ =	swait.ge [sflag:s16], $0x1400  }
0x166: {  	[sflag:s16] =	ssyncset.done $0x0  }
0x167: {  	[sflag:s16] =	ssyncadd.s32 $0xFFFFEC00  }
0x168: {  	_ =	swait.ge [sflag:s16], $0x28  }
0x169: {  	[sflag:s16] =	ssyncset.done $0x0  }
0x16a: {  	[sflag:s16] =	ssyncadd.s32 $0xFFFFFFD8  }
0x16b: {  	_ =	swait.ge [sflag:s16], $0x28  }
0x16c: {  	[sflag:s16] =	ssyncset.done $0x0  }
0x16d: {  	s23 =	simm.s32 $0x2800;
	[sflag:s16] =	ssyncadd.s32 $0xFFFFFFD8  }
0x16e: {  	[spmem:s2] =	stream.indirect.scatter.add.f32 [tilespmem:s23], [sflag:$0x5], $0x80, s10, s13, $0xb8;
	[tilespmem:$0x19200] =	vst v63  }
0x16f: {  	s24 =	simm.s32 $0x3C00  }
0x170: {  	[spmem:s2] =	stream.indirect.scatter.add.f32 [tilespmem:s24], [sflag:$0x6], $0x80, s11, s13, $0xb8;
	[tilespmem:$0x19200] =	vst v63  }
0x171: {  	_ =	swait.ge [sflag:s17], $0x1400  }
0x172: {  	[sflag:s17] =	ssyncset.done $0x0  }
0x173: {  	[sflag:s17] =	ssyncadd.s32 $0xFFFFEC00  }
0x174: {  	_ =	swait.ge [sflag:s18], $0x1400  }
0x175: {  	[sflag:s18] =	ssyncset.done $0x0  }
0x176: {  	s26 =	stileid.u32;
	[sflag:s18] =	ssyncadd.s32 $0xFFFFEC00  }
0x177: {  	s0 =	sshll.u32 s26, $0x6;
	[bflag:$0x0] =	sbarrier.arrive $0xFFFF  }
0x178: {  	s29 =	sshrl.u32 s12, $0x3;
	s0 =	sor.u32 $0x1C07, s0;
	s30 =	rddreg [dreg:$0xd]  }
0x179: {  	[hbm:s30], [sflag:s0] =	dma.local [spmem:s29], $0x2800  }
0x17a: {  	_ =	swait.ge [sflag:s21], $0x2800  }
0x17b: {  	s22 =	sadd.s32 $0x1, s22;
	s31 =	rddreg [dreg:$0xe]  }
0x17c: {  	p0 =	sne.s32 s22, s31  }
.Ltmp2:
0x17d: {  	_ = 	snop;
	(pc) =	sbr.rel @p0 .LBB2_1-.Ltmp2, $3  }
0x17e: {  	_ =	sdelay $0x1  }
0x17f: {  	[sflag:s21] =	ssyncset.done $0x0  }
0x180: {  	[sflag:s21] =	ssyncadd.s32 $0xFFFFD800  }
0x181: {  	_ =	sfence.sel $0x180000  }
0x182: {  	[bflag:$0x0] =	sbarrier.arrive $0xFFFF  }
0x183: {  	_ =	strace $0x9000004A  }
0x184: {  	s0 =	stileid.u32;
	[bflag:$0x2] =	sbarrier.arrive $0xFFFF  }
0x185: {  	p0 =	sne.s32 s0, $0x0;
	s0 =	rddreg [dreg:$0x4]  }
0x186: {  	s0 =	sadd.s32 @!p0 $0x100000, s0  }
0x187: {  	[sflag:s0] =	ssyncadd.tile.s32 @!p0 $0x1;
	_ =	shalt  }
.Lfunc_end2:
_tile_overlayer_lowered:
.L_overlay_start_2:
0x188: {  	(tag) =	ssettag $0x2  }
0x189: {  	s0 =	rddreg [dreg:$0x0];
	s2 =	stileid.u32  }
0x18a: {  	s1 =	rddreg [dreg:$0x1];
	p0 =	sne.s32 s2, $0x0  }
0x18b: {  	s3 =	rddreg [dreg:$0x2];
	[bflag:$0x3] =	sbarrier.arrive $0xFFFF;
	s2 =	simm.s32 @!p0 $0x1C07  }
0x18c: {  	[timem:s3], [sflag:s2] =	dma.local @!p0 [hbm:s0], s1  }
0x18d: {  	s0 =	simm.s32 @!p0 $0x7  }
0x18e: {  	_ =	swait.ge @!p0 [sflag:s0], s1  }
0x18f: {  	s1 =	ssub.s32 @!p0 $0x0, s1;
	[sflag:s0] =	ssyncset.done @!p0 $0x0  }
0x190: {  	[sflag:s0] =	ssyncadd.s32 @!p0 s1  }
0x191: {  	[bflag:$0x3] =	sbarrier.arrive $0xFFFF  }
0x192: {  	_ =	shalt  }

// kernel: kernel.7.cloned.1.call-start
scs
__scs_entry_jumppad:
0x0: {  	(pc) =	sbr.rel $0x88, $3  }
0x1: {  	(tag) =	ssettag $0x0;
	lr =	simm.s32 $0x1  }
0x2: {  	[smem:$0x3F8B] =	sst lr;
	_ =	strace $0xD0000000  }
0x3: {  	_ = 	snop  }
0x4: {  	_ = 	snop  }
0x5: {  	_ = 	snop  }
0x6: {  	_ = 	snop  }
0x7: {  	_ = 	snop  }
__scs_overlays_trampoline_lowered:
0x8: {  	[smem:$0x3F9A] =	sst s0  }
0x9: {  	[smem:$0x3F9B] =	sst s1  }
0xa: {  	[smem:$0x3F9C] =	sst s2  }
0xb: {  	[smem:$0x3F9D] =	sst s3  }
0xc: {  	[smem:$0x3F9E] =	sst s4  }
0xd: {  	[smem:$0x3F9F] =	sst s5  }
0xe: {  	[smem:$0x3FA0] =	sst s6  }
0xf: {  	[smem:$0x3FA1] =	sst s7  }
0x10: {  	[smem:$0x3FA2] =	sst s8  }
0x11: {  	[smem:$0x3FA3] =	sst s9;
	s0 =	simm.s32 @!p0 $0x0  }
0x12: {  	s1 =	sld [smem:$0x3F89];
	s0 =	simm.s32 @p0 $0x1  }
0x13: {  	[smem:$0x3FA4] =	sst s0;
	s0 =	simm.s32 @!p1 $0x0  }
0x14: {  	s2 =	sld [smem:$0x3F88];
	s0 =	simm.s32 @p1 $0x1  }
0x15: {  	[smem:$0x3FA5] =	sst s0;
	s0 =	simm.s32 @!p2 $0x0  }
0x16: {  	s3 =	sld [smem:$0x3FDB];
	s0 =	simm.s32 @p2 $0x1  }
0x17: {  	s4 =	simm.s32 $0x1BF5;
	[smem:$0x3FA7] =	sst s0  }
0x18: {  	s0 =	sld [smem:$0x3F8A];
	_ =	swait.ge [sflag:s4], $0x0  }
0x19: {  	s7 =	sld [smem:$0x3F8B]  }
0x1a: {  	s8 =	sadd.s32 $0xFFFFE003, lr  }
0x1b: {  	s9 =	sadd.s32 $0xFFFFFEF7, lr;
	s5 =	simm.s32 $0xFFFFFFFF;
	p2 =	slt.u32 s8, $0xFFFFF086  }
0x1c: {  	p1 =	slt.u32 s9, $0xF7A;
	s5 =	simm.s32 @!p2 $0x0  }
0x1d: {  	s5 =	simm.s32 @p1 $0x1;
	p0 =	seq.s32 s7, s2  }
0x1e: {  	s7 =	smul.u32 @!p0 $0xF7A, s2;
	p2 =	seq.s32 @!p0 s5, $0x0  }
0x1f: {  	s9 =	smul.u32 $0xF7A, s1;
	s8 =	simm.s32 @!p0 $0x1BF5;
	p2 =	por !p2, p0  }
0x20: {  	[sflag:s8] =	ssyncset.s32 @!p0 $0xFFFFF086;
	s6 =	sadd.s32 @!p0 s3, s7;
	s7 =	simm.s32 @!p0 $0x108  }
0x21: {  	s3 =	sadd.s32 s3, s9;
	s6 =	sadd.s32 @!p0 $0x88, s6;
	s7 =	simm.s32 @p2 $0x1082  }
0x22: {  	[simem:s7], [sflag:s8] =	dma.local @!p0 [hbm:s6], $0xF7A  }
0x23: {  	s9 =	sor.u32 $0xD0000000, s2;
	s6 =	simm.s32 $0x108;
	_ =	swait.ge @!p0 [sflag:s8], $0x0  }
0x24: {  	s3 =	sadd.s32 $0x88, s3;
	s6 =	simm.s32 @!p1 $0x1082;
	[sflag:s4] =	ssyncset.s32 $0xFFFFF086  }
0x25: {  	[simem:s6], [sflag:s4] =	dma.local [hbm:s3], $0xF7A  }
0x26: {  	[smem:$0x3F8B] =	sst s1;
	(tag) =	ssettag s2;
	_ =	strace s9  }
0x27: {  	s1 =	sld [smem:$0x3F9B]  }
0x28: {  	s2 =	sld [smem:$0x3F9C]  }
0x29: {  	s4 =	sld [smem:$0x3F9E]  }
0x2a: {  	p0 =	seq.s32 s5, $0x0;
	s5 =	sld [smem:$0x3F9F]  }
0x2b: {  	s6 =	sld [smem:$0x3FA0]  }
0x2c: {  	s7 =	sld [smem:$0x3FA1]  }
0x2d: {  	s3 =	simm.s32 $0x108;
	s8 =	sld [smem:$0x3FA2]  }
0x2e: {  	s3 =	simm.s32 @!p0 $0x1082;
	s9 =	sld [smem:$0x3FA3]  }
0x2f: {  	lr =	sadd.s32 s0, s3;
	s0 =	sld [smem:$0x3F9A]  }
0x30: {  	s3 =	sld [smem:$0x3F9D]  }
0x31: {  	[smem:$0x3FA6] =	sst s10  }
0x32: {  	s10 =	sld [smem:$0x3FA4];
	_ =	sdelay $0x3  }
0x33: {  	p0 =	seq.s32 s10, $0x1;
	s10 =	sld [smem:$0x3FA6];
	_ =	sdelay $0x3  }
0x34: {  	[smem:$0x3FA6] =	sst s10  }
0x35: {  	s10 =	sld [smem:$0x3FA5];
	_ =	sdelay $0x3  }
0x36: {  	p1 =	seq.s32 s10, $0x1;
	s10 =	sld [smem:$0x3FA6];
	_ =	sdelay $0x3  }
0x37: {  	[smem:$0x3FA6] =	sst s10  }
0x38: {  	s10 =	sld [smem:$0x3FA7]  }
0x39: {  	_ = 	snop;
	(pc) =	sbr.ind lr, $3  }
0x3a: {  	_ = 	snop  }
0x3b: {  	_ = 	snop  }
0x3c: {  	p2 =	seq.s32 s10, $0x1;
	s10 =	sld [smem:$0x3FA6]  }
0x3d: {  	_ =	shalt  }
0x3e: {  	_ =	shalt  }
0x3f: {  	_ =	shalt  }
0x40: {  	_ =	shalt  }
0x41: {  	_ =	shalt  }
0x42: {  	_ =	shalt  }
0x43: {  	_ =	shalt  }
0x44: {  	_ =	shalt  }
0x45: {  	_ =	shalt  }
0x46: {  	_ =	shalt  }
0x47: {  	_ =	shalt  }
0x48: {  	_ =	shalt  }
0x49: {  	_ =	shalt  }
0x4a: {  	_ =	shalt  }
0x4b: {  	_ =	shalt  }
0x4c: {  	_ =	shalt  }
0x4d: {  	_ =	shalt  }
0x4e: {  	_ =	shalt  }
0x4f: {  	_ =	shalt  }
0x50: {  	_ =	shalt  }
0x51: {  	_ =	shalt  }
0x52: {  	_ =	shalt  }
0x53: {  	_ =	shalt  }
0x54: {  	_ =	shalt  }
0x55: {  	_ =	shalt  }
0x56: {  	_ =	shalt  }
0x57: {  	_ =	shalt  }
0x58: {  	_ =	shalt  }
0x59: {  	_ =	shalt  }
0x5a: {  	_ =	shalt  }
0x5b: {  	_ =	shalt  }
0x5c: {  	_ =	shalt  }
0x5d: {  	_ =	shalt  }
0x5e: {  	_ =	shalt  }
0x5f: {  	_ =	shalt  }
0x60: {  	_ =	shalt  }
0x61: {  	_ =	shalt  }
0x62: {  	_ =	shalt  }
0x63: {  	_ =	shalt  }
0x64: {  	_ =	shalt  }
0x65: {  	_ =	shalt  }
0x66: {  	_ =	shalt  }
0x67: {  	_ =	shalt  }
0x68: {  	_ =	shalt  }
0x69: {  	_ =	shalt  }
0x6a: {  	_ =	shalt  }
0x6b: {  	_ =	shalt  }
0x6c: {  	_ =	shalt  }
0x6d: {  	_ =	shalt  }
0x6e: {  	_ =	shalt  }
0x6f: {  	_ =	shalt  }
0x70: {  	_ =	shalt  }
0x71: {  	_ =	shalt  }
0x72: {  	_ =	shalt  }
0x73: {  	_ =	shalt  }
0x74: {  	_ =	shalt  }
0x75: {  	_ =	shalt  }
0x76: {  	_ =	shalt  }
0x77: {  	_ =	shalt  }
0x78: {  	_ =	shalt  }
0x79: {  	_ =	shalt  }
0x7a: {  	_ =	shalt  }
0x7b: {  	_ =	shalt  }
0x7c: {  	_ =	shalt  }
0x7d: {  	_ =	shalt  }
0x7e: {  	_ =	shalt  }
0x7f: {  	_ =	shalt  }
0x80: {  	_ =	shalt  }
0x81: {  	_ =	shalt  }
0x82: {  	_ =	shalt  }
0x83: {  	_ =	shalt  }
0x84: {  	_ =	shalt  }
0x85: {  	_ =	shalt  }
0x86: {  	_ =	shalt  }
0x87: {  	_ =	shalt  }
.Lfunc_end0:
.L_simem_size_0:
called_computation_lowered:
.L_overlay_start_0:
0x88: {  	s2 =	sld [smem:$0x3FD9]  }
0x89: {  	s3 =	sld [smem:$0x3FFE];
	_ =	sdelay $0x1  }
0x8a: {  	s1 =	srdreg.scid  }
0x8b: {  	s0 =	sand.u32 $0x1, s1  }
0x8c: {  	s17 =	sshll.u32 s0, $0xA;
	s2 =	sadd.s32 s3, s2  }
0x8d: {  	s2 =	sadd.s32 s2, s17  }
0x8e: {  	[smem:$0x3FB2] =	sst s2  }
0x8f: {  	_ = 	snop  }
0x90: {  	s2 =	sld [smem:$0x3FD0];
	(tm) =	ssettm $0x1  }
0x91: {  	s18 =	sld [smem:$0x3FFB];
	_ =	sdelay $0x3  }
0x92: {  	_ =	strace s18  }
0x93: {  	s3 =	sld [smem:$0x3FFC];
	_ =	sdelay $0x3  }
0x94: {  	_ =	strace s3  }
0x95: {  	s3 =	sld [smem:$0x3FFD];
	_ =	sdelay $0x3  }
0x96: {  	_ =	strace s3  }
0x97: {  	_ =	strace $0x8FFFFFFF  }
0x98: {  	s19 =	sld [smem:$0x3FDB];
	_ =	sdelay $0x1  }
0x99: {  	s4 =	simm.s32 $_scs_section_size  }
0x9a: {  	s5 =	simm.s32 $_size__tile_overlayer_lowered;
	s6 =	simm.s32 $_tile_overlayer_lowered  }
0x9b: {  	s22 =	simm.s32 $0x1BFF;
	s21 =	sshll.u32 s6, $0x1;
	s3 =	sadd.s32 s4, s19  }
0x9c: {  	s7 =	simm.s32 $0x0;
	s20 =	sshll.u32 s5, $0x1;
	s5 =	sadd.s32 s21, s3  }
0x9d: {  	[timem:s7], [sflag:s22] =	dma.local [hbm:s5], s20  }
0x9e: {  	_ =	swait.ge [sflag:s22], s20  }
0x9f: {  	s4 =	ssub.s32 $0x0, s20;
	[sflag:s22] =	ssyncset.done $0x0  }
0xa0: {  	[sflag:s22] =	ssyncadd.s32 s4;
	_ =	sdelay $0x1  }
0xa1: {  	s23 =	simm.s32 $0x1B8B  }
0xa2: {  	_ =	swait.ge [sflag:s23], $0x1  }
0xa3: {  	[sflag:s23] =	ssyncset.done $0x0  }
0xa4: {  	s25 =	simm.s32 $0x1B8E;
	s24 =	sld [smem:$0x3FFE];
	[sflag:s23] =	ssyncadd.s32 $0xFFFFFFFF  }
0xa5: {  	s26 =	simm.s32 $execute0_lowered;
	[smem:$0x3FD2] =	sst s25  }
0xa6: {  	s5 =	sshll.u32 s26, $0x1;
	_ =	strace $0x80000046;
	[dreg:$0x1] =	wrdreg $0xFFFFFFFF  }
0xa7: {  	s28 =	simm.s32 $_size_execute0_lowered;
	s3 =	sadd.s32 s3, s5;
	[dreg:$0x0] =	wrdreg $0x0  }
0xa8: {  	s5 =	sshll.u32 s28, $0x1;
	[dreg:$0x2] =	wrdreg s3  }
0xa9: {  	[dreg:$0x3] =	wrdreg s5  }
0xaa: {  	[dreg:$0x4] =	wrdreg $0xC0  }
0xab: {  	_ =	task [dreg:s7], $0x5FFFF  }
0xac: {  	[dreg:$0x1] =	wrdreg $0xFFFFFFFF  }
0xad: {  	[dreg:$0x0] =	wrdreg $0x60  }
0xae: {  	[dreg:$0x2] =	wrdreg s2  }
0xaf: {  	[dreg:$0x3] =	wrdreg s24  }
0xb0: {  	[dreg:$0x4] =	wrdreg $0x9  }
0xb1: {  	_ =	task.clear_ibuf [dreg:s7], $0x5FFFF;
	_ =	strace $0x90000046  }
0xb2: {  	s29 =	simm.s32 $0x9;
	_ =	strace $0x80000048  }
0xb3: {  	_ =	swait.ge [sflag:s29], $0x1  }
0xb4: {  	[sflag:s29] =	ssyncadd.s32 $0xFFFFFFFF  }
0xb5: {  	_ =	strace $0x90000048  }
0xb6: {  	_ =	sfence  }
0xb7: {  	s30 =	sld [smem:$0x0];
	_ =	sdelay $0x2  }
0xb8: {  	s31 =	sshll.u32 s1, $0xD;
	s1 =	sshrl.u32 s1, $0x2  }
0xb9: {  	s3 =	sand.u32 $0x4000, s31;
	s1 =	sadd.s32 s1, s30  }
0xba: {  	s0 =	sor.u32 s3, s0;
	s1 =	sshll.u32 s1, $0x11  }
0xbb: {  	s0 =	sor.u32 s1, s0  }
0xbc: {  	s0 =	sadd.s32 $0x8F2B, s0  }
0xbd: {  	[sflag:s0] =	ssyncadd.remote.s32 $0x1  }
0xbe: {  	_ =	sfence.sel $0xFFFF  }
0xbf: {  	[dreg:$0x0] =	wrdreg $0xFFFFFFFF;
	(pc) =	sbr.abs _section_cstart, $3  }
0xc0: {  	[dreg:$0x1] =	wrdreg $0xFFFFFFFF  }
0xc1: {  	_ =	task.clear_ibuf [dreg:s7], $0x2FFFF;
	_ =	strace $0x9FFFFFFF  }
0xc2: {  	(tm) =	ssettm $0x7FFFFFFF  }
0xc3: {  	_ =	shalt  }
tec
execute0_lowered:
.L_overlay_start_1:
0x0: {  	(tag) =	ssettag $0x1  }
0x1: {  	s1 =	rddreg [dreg:$0x0]  }
0x2: {  	s0 =	rddreg [dreg:$0x1];
	s3 =	simm.s32 $0x0  }
0x3: {  	s2 =	srdreg.scid;
	s6 =	stileid.u32;
	s9 =	simm.s32 $0x7  }
0x4: {  	s10 =	simm.s32 $0x4000;
	s11 =	simm.s32 $0x50;
	s12 =	simm.s32 $0x8000  }
0x5: {  	s13 =	simm.s32 $0xA800;
	s15 =	simm.s32 $0xD000;
	s17 =	simm.s32 $0xF800  }
0x6: {  	s19 =	simm.s32 $0x12000;
	s20 =	simm.s32 $0x4100;
	s21 =	simm.s32 $0x14800  }
0x7: {  	s22 =	simm.s32 $0x3;
	s23 =	simm.s32 $0x4;
	s24 =	simm.s32 $0x5  }
0x8: {  	s25 =	simm.s32 $0x6;
	s28 =	simm.s32 $0x1;
	s29 =	simm.s32 $0x0  }
0x9: {  	[smem:$0x7FF] =	sst s3;
	s2 =	sand.u32 $0x1, s2;
	s4 =	sshll.u32 s6, $0xC  }
0xa: {  	s6 =	smul.u32 $0x4E200, s6;
	_ =	strace $0x80000047;
	s5 =	sshll.u32 s2, $0xB  }
.Ltmp0:
0xb: {  	s26 =	ssub.s32 $0x2, s2;
	s4 =	sor.u32 s5, s4;
	(pc) =	sbr.rel .LBB2_1-.Ltmp0, $4  }
0xc: {  	s2 =	smul.u32 $0x27100, s2;
	s30 =	sshrl.u32 s26, $0x1;
	s7 =	sadd.s32 s4, s0  }
0xd: {  	s0 =	sadd.s32 s6, s0;
	s31 =	ssub.s32 s26, s30;
	s26 =	simm.s32 $0x2  }
0xe: {  	s4 =	sadd.s32 $0x4000, s7;
	s0 =	sadd.s32 s2, s0;
	s5 =	sadd.s32 $0x14000, s7  }
0xf: {  	s6 =	smax.u32 s31, $0x1;
	s2 =	sadd.s32 $0x24000, s0;
	s0 =	sadd.s32 $0x506000, s0  }
.LBB2_8:
0x10: {  	_ =	swait.ge [sflag:s23], $0x2800  }
0x11: {  	[sflag:s23] =	ssyncset.done $0x0  }
0x12: {  	[sflag:s23] =	ssyncadd.s32 $0xFFFFD800  }
0x13: {  	_ =	swait.ge [sflag:s23], $0x2800  }
0x14: {  	[sflag:s23] =	ssyncset.done $0x0  }
0x15: {  	[sflag:s23] =	ssyncadd.s32 $0xFFFFD800  }
0x16: {  	_ =	swait.ge [sflag:s24], $0x2800  }
0x17: {  	[sflag:s24] =	ssyncset.done $0x0  }
0x18: {  	[sflag:s24] =	ssyncadd.s32 $0xFFFFD800  }
0x19: {  	_ =	swait.ge [sflag:s24], $0x2800  }
0x1a: {  	[sflag:s24] =	ssyncset.done $0x0  }
0x1b: {  	s29 =	sadd.s32 $0x1, s29;
	[sflag:s24] =	ssyncadd.s32 $0xFFFFD800  }
0x1c: {  	p0 =	sne.s32 s29, s6;
	_ =	swait.ge [sflag:s25], $0x2800  }
.Ltmp1:
0x1d: {  	[sflag:s25] =	ssyncset.done $0x0;
	(pc) =	sbr.rel @!p0 .LBB2_9-.Ltmp1, $4  }
0x1e: {  	[sflag:s25] =	ssyncadd.s32 $0xFFFFD800  }
0x1f: {  	_ =	swait.ge [sflag:s25], $0x2800  }
0x20: {  	[sflag:s25] =	ssyncset.done $0x0  }
0x21: {  	[sflag:s25] =	ssyncadd.s32 $0xFFFFD800  }
.LBB2_1:
0x22: {  	[tilespmem:s3], [sflag:$0x7] =	stream.linear.gather [hbm4b:s4+s3], $0x3E80, $0x38;
	[tilespmem:$0x17000] =	vst v63  }
0x23: {  	_ =	swait.ge [sflag:s9], $0x3E80  }
0x24: {  	[sflag:s9] =	ssyncset.done $0x0  }
0x25: {  	[sflag:s9] =	ssyncadd.s32 $0xFFFFC180  }
0x26: {  	[tilespmem:s10], [sflag:$0x7] =	stream.linear.gather [hbm4b:s5+s3], $0x3E80, $0x38;
	[tilespmem:$0x17000] =	vst v63  }
0x27: {  	_ =	swait.ge [sflag:s9], $0x3E80  }
0x28: {  	[sflag:s9] =	ssyncset.done $0x0  }
0x29: {  	[sflag:s9] =	ssyncadd.s32 $0xFFFFC180  }
0x2a: {  	[tilespmem:s12], [sflag:$0x1] =	stream.indirect.gather [hbm4b:s1+s11], $0x80, s3, s11, $0xb8;
	[tilespmem:$0x17000] =	vst v63  }
0x2b: {  	_ = 	snop  }
0x2c: {  	[tilespmem:s13], [sflag:$0x1] =	stream.indirect.gather [hbm4b:s1+s11], $0x80, s10, s11, $0xb8;
	[tilespmem:$0x17000] =	vst v63  }
0x2d: {  	s7 =	simm.s32 $0x80  }
0x2e: {  	[tilespmem:s15], [sflag:$0x2] =	stream.indirect.gather [hbm4b:s1+s11], $0x80, s7, s11, $0xb8;
	[tilespmem:$0x17000] =	vst v63  }
0x2f: {  	s16 =	simm.s32 $0x4080  }
0x30: {  	[tilespmem:s17], [sflag:$0x2] =	stream.indirect.gather [hbm4b:s1+s11], $0x80, s16, s11, $0xb8;
	[tilespmem:$0x17000] =	vst v63  }
.Ltmp2:
0x31: {  	_ = 	snop;
	(pc) =	sbr.rel .LBB2_2-.Ltmp2, $4  }
0x32: {  	s18 =	simm.s32 $0x100;
	s30 =	simm.s32 $0x4180;
	s31 =	simm.s32 $0x180  }
0x33: {  	[tilespmem:s19], [sflag:$0x3] =	stream.indirect.gather [hbm4b:s1+s11], $0x80, s18, s11, $0xb8;
	[tilespmem:$0x17000] =	vst v63  }
0x34: {  	s8 =	smov.u32 s0;
	s14 =	simm.s32 $0x0;
	s7 =	smov.u32 s2  }
0x35: {  	[tilespmem:s21], [sflag:$0x3] =	stream.indirect.gather [hbm4b:s1+s11], $0x80, s20, s11, $0xb8;
	[tilespmem:$0x17000] =	vst v63  }
.LBB2_6:
0x36: {  	_ =	swait.ge [sflag:s22], $0x2800  }
0x37: {  	[sflag:s22] =	ssyncset.done $0x0  }
0x38: {  	[sflag:s22] =	ssyncadd.s32 $0xFFFFD800  }
0x39: {  	_ =	swait.ge [sflag:s22], $0x2800  }
0x3a: {  	[sflag:s22] =	ssyncset.done $0x0  }
0x3b: {  	p0 =	sgt.u32 s14, $0x79;
	[sflag:s22] =	ssyncadd.s32 $0xFFFFD800  }
0x3c: {  	[hbm4b:s7+s3] =	stream.linear.scatter [tilespmem:s19], [sflag:$0x6], $0x2800, $0x38;
	[tilespmem:$0x17000] =	vst v63  }
0x3d: {  	s16 =	simm.s32 @!p0 $0x6  }
0x3e: {  	[hbm4b:s8+s3] =	stream.linear.scatter [tilespmem:s21], [sflag:$0x6], $0x2800, $0x38;
	[tilespmem:$0x17000] =	vst v63  }
0x3f: {  	_ =	swait.ge @!p0 [sflag:s16], $0x2800  }
0x40: {  	[sflag:s16] =	ssyncset.done @!p0 $0x0  }
0x41: {  	[sflag:s16] =	ssyncadd.s32 @!p0 $0xFFFFD800  }
0x42: {  	_ =	swait.ge @!p0 [sflag:s16], $0x2800  }
0x43: {  	[sflag:s16] =	ssyncset.done @!p0 $0x0  }
0x44: {  	s18 =	simm.s32 @!p0 $0x12000;
	[sflag:s16] =	ssyncadd.s32 @!p0 $0xFFFFD800;
	s16 =	simm.s32 @!p0 $0x50  }
0x45: {  	[tilespmem:s18], [sflag:$0x3] =	stream.indirect.gather @!p0 [hbm4b:s1+s16], $0x80, s31, s16, $0xb8;
	[tilespmem:$0x17000] =	vst v63  }
0x46: {  	s18 =	simm.s32 @!p0 $0x14800  }
0x47: {  	[tilespmem:s18], [sflag:$0x3] =	stream.indirect.gather @!p0 [hbm4b:s1+s16], $0x80, s30, s16, $0xb8;
	[tilespmem:$0x17000] =	vst v63  }
.LBB2_7:
0x48: {  	s14 =	sadd.s32 $0x1, s14  }
0x49: {  	p0 =	sne.s32 s14, $0x7D  }
.Ltmp3:
0x4a: {  	_ = 	snop;
	(pc) =	sbr.rel @!p0 .LBB2_8-.Ltmp3, $3  }
0x4b: {  	_ =	sdelay $0x1  }
0x4c: {  	s30 =	sadd.s32 $0x80, s30  }
0x4d: {  	s31 =	sadd.s32 $0x80, s31;
	s7 =	sadd.s32 $0x500, s7;
	s8 =	sadd.s32 $0x500, s8  }
.LBB2_2:
0x4e: {  	s16 =	smul.u32 $0xAB, s14;
	_ =	sdelay $0x1  }
0x4f: {  	s16 =	sshrl.u32 s16, $0x9  }
0x50: {  	s16 =	sand.u32 $0x7F, s16  }
0x51: {  	s16 =	smul.u32 $0x3, s16;
	_ =	sdelay $0x1  }
0x52: {  	s16 =	ssub.s32 s14, s16  }
0x53: {  	s16 =	sand.u32 $0xFF, s16  }
0x54: {  	p0 =	seq.s32 s16, $0x2  }
.Ltmp4:
0x55: {  	_ = 	snop;
	(pc) =	sbr.rel @p0 .LBB2_6-.Ltmp4, $1  }
0x56: {  	_ =	sdelay $0x3  }
0x57: {  	p0 =	seq.s32 s16, $0x1  }
.Ltmp5:
0x58: {  	_ = 	snop;
	(pc) =	sbr.rel @!p0 .LBB2_4-.Ltmp5, $1  }
0x59: {  	_ =	sdelay $0x3  }
0x5a: {  	_ =	swait.ge [sflag:s26], $0x2800  }
0x5b: {  	[sflag:s26] =	ssyncset.done $0x0  }
0x5c: {  	[sflag:s26] =	ssyncadd.s32 $0xFFFFD800  }
0x5d: {  	_ =	swait.ge [sflag:s26], $0x2800  }
0x5e: {  	[sflag:s26] =	ssyncset.done $0x0  }
0x5f: {  	p0 =	sgt.u32 s14, $0x79;
	[sflag:s26] =	ssyncadd.s32 $0xFFFFD800  }
0x60: {  	[hbm4b:s7+s3] =	stream.linear.scatter [tilespmem:s15], [sflag:$0x5], $0x2800, $0x38;
	[tilespmem:$0x17000] =	vst v63  }
0x61: {  	s16 =	simm.s32 @!p0 $0x5  }
0x62: {  	[hbm4b:s8+s3] =	stream.linear.scatter [tilespmem:s17], [sflag:$0x5], $0x2800, $0x38;
	[tilespmem:$0x17000] =	vst v63  }
0x63: {  	_ =	swait.ge @!p0 [sflag:s16], $0x2800  }
0x64: {  	[sflag:s16] =	ssyncset.done @!p0 $0x0  }
0x65: {  	[sflag:s16] =	ssyncadd.s32 @!p0 $0xFFFFD800  }
0x66: {  	_ =	swait.ge @!p0 [sflag:s16], $0x2800  }
.Ltmp6:
0x67: {  	[sflag:s16] =	ssyncset.done @!p0 $0x0;
	(pc) =	sbr.rel .LBB2_7-.Ltmp6, $4  }
0x68: {  	s18 =	simm.s32 @!p0 $0xD000;
	[sflag:s16] =	ssyncadd.s32 @!p0 $0xFFFFD800;
	s16 =	simm.s32 @!p0 $0x50  }
0x69: {  	[tilespmem:s18], [sflag:$0x2] =	stream.indirect.gather @!p0 [hbm4b:s1+s16], $0x80, s31, s16, $0xb8;
	[tilespmem:$0x17000] =	vst v63  }
0x6a: {  	s18 =	simm.s32 @!p0 $0xF800  }
0x6b: {  	[tilespmem:s18], [sflag:$0x2] =	stream.indirect.gather @!p0 [hbm4b:s1+s16], $0x80, s30, s16, $0xb8;
	[tilespmem:$0x17000] =	vst v63  }
.LBB2_4:
0x6c: {  	_ =	swait.ge [sflag:s28], $0x2800  }
0x6d: {  	[sflag:s28] =	ssyncset.done $0x0  }
0x6e: {  	[sflag:s28] =	ssyncadd.s32 $0xFFFFD800  }
0x6f: {  	_ =	swait.ge [sflag:s28], $0x2800  }
0x70: {  	[sflag:s28] =	ssyncset.done $0x0  }
0x71: {  	p0 =	sgt.u32 s14, $0x79;
	[sflag:s28] =	ssyncadd.s32 $0xFFFFD800  }
0x72: {  	[hbm4b:s7+s3] =	stream.linear.scatter [tilespmem:s12], [sflag:$0x4], $0x2800, $0x38;
	[tilespmem:$0x17000] =	vst v63  }
0x73: {  	s16 =	simm.s32 @!p0 $0x4  }
0x74: {  	[hbm4b:s8+s3] =	stream.linear.scatter [tilespmem:s13], [sflag:$0x4], $0x2800, $0x38;
	[tilespmem:$0x17000] =	vst v63  }
0x75: {  	_ =	swait.ge @!p0 [sflag:s16], $0x2800  }
0x76: {  	[sflag:s16] =	ssyncset.done @!p0 $0x0  }
0x77: {  	[sflag:s16] =	ssyncadd.s32 @!p0 $0xFFFFD800  }
0x78: {  	_ =	swait.ge @!p0 [sflag:s16], $0x2800  }
.Ltmp7:
0x79: {  	[sflag:s16] =	ssyncset.done @!p0 $0x0;
	(pc) =	sbr.rel .LBB2_7-.Ltmp7, $4  }
0x7a: {  	s18 =	simm.s32 @!p0 $0x8000;
	[sflag:s16] =	ssyncadd.s32 @!p0 $0xFFFFD800;
	s16 =	simm.s32 @!p0 $0x50  }
0x7b: {  	[tilespmem:s18], [sflag:$0x1] =	stream.indirect.gather @!p0 [hbm4b:s1+s16], $0x80, s31, s16, $0xb8;
	[tilespmem:$0x17000] =	vst v63  }
0x7c: {  	s18 =	simm.s32 @!p0 $0xA800  }
0x7d: {  	[tilespmem:s18], [sflag:$0x1] =	stream.indirect.gather @!p0 [hbm4b:s1+s16], $0x80, s30, s16, $0xb8;
	[tilespmem:$0x17000] =	vst v63  }
.LBB2_9:
0x7e: {  	_ =	sfence.sel $0x180000  }
0x7f: {  	[bflag:$0x0] =	sbarrier.arrive $0xFFFF  }
0x80: {  	_ =	strace $0x90000047  }
0x81: {  	s0 =	stileid.u32;
	[bflag:$0x2] =	sbarrier.arrive $0xFFFF  }
0x82: {  	p0 =	sne.s32 s0, $0x0;
	s0 =	rddreg [dreg:$0x2]  }
0x83: {  	s0 =	sadd.s32 @!p0 $0x100000, s0  }
0x84: {  	[sflag:s0] =	ssyncadd.tile.s32 @!p0 $0x1;
	_ =	shalt  }
.Lfunc_end2:
_tile_overlayer_lowered:
.L_overlay_start_2:
0x85: {  	(tag) =	ssettag $0x2  }
0x86: {  	s0 =	rddreg [dreg:$0x0];
	s2 =	stileid.u32  }
0x87: {  	s1 =	rddreg [dreg:$0x1];
	p0 =	sne.s32 s2, $0x0  }
0x88: {  	s3 =	rddreg [dreg:$0x2];
	[bflag:$0x3] =	sbarrier.arrive $0xFFFF;
	s2 =	simm.s32 @!p0 $0x1C07  }
0x89: {  	[timem:s3], [sflag:s2] =	dma.local @!p0 [hbm:s0], s1  }
0x8a: {  	s0 =	simm.s32 @!p0 $0x7  }
0x8b: {  	_ =	swait.ge @!p0 [sflag:s0], s1  }
0x8c: {  	s1 =	ssub.s32 @!p0 $0x0, s1;
	[sflag:s0] =	ssyncset.done @!p0 $0x0  }
0x8d: {  	[sflag:s0] =	ssyncadd.s32 @!p0 s1  }
0x8e: {  	[bflag:$0x3] =	sbarrier.arrive $0xFFFF  }
0x8f: {  	_ =	shalt  }

</sc_bundles>
